<compile_context>
chip_gen: v7x
topology: tpu7x:2x2x1
jax: 0.10.2.dev20260603
libtpu: 0.0.44.dev20260713+nightly
codegen_flags: <defaults>
</compile_context>

<pallas_src>
import functools

import jax
import jax.numpy as jnp
from jax import lax
from jax.experimental import pallas as pl
from jax.experimental.pallas import tpu as pltpu
from jax.experimental.pallas import tpu_sc as plsc

_N = 4096
_R = 256
_K = 10


def _bitonic_topk_plan(n, k):
    ex = []
    kk = 2
    while kk <= n:
        j = kk // 2
        while j >= 1:
            for i in range(n):
                l = i ^ j
                if l > i:
                    ex.append((i, l, (i & kk) == 0))
            j //= 2
        kk *= 2
    needed = set(range(k))
    plan = []
    for (i, l, d) in reversed(ex):
        ni, nl = i in needed, l in needed
        if not (ni or nl):
            continue
        plan.append((i, l, d, ni, nl))
        needed.add(i)
        needed.add(l)
    plan.reverse()
    return plan


_PLAN16 = _bitonic_topk_plan(16, _K)


def _lane_topk(chunks, plan):
    a = list(chunks)
    for (i, l, desc, ni, nl) in plan:
        x, y = a[i], a[l]
        hi = jnp.maximum(x, y) if (ni if desc else nl) else None
        lo = jnp.minimum(x, y) if (nl if desc else ni) else None
        if desc:
            if ni:
                a[i] = hi
            if nl:
                a[l] = lo
        else:
            if ni:
                a[i] = lo
            if nl:
                a[l] = hi
    return a


def _candidates(s):
    r, n = s.shape
    nchunks = n // 128
    chunks = [s[:, g * 128:(g + 1) * 128] for g in range(nchunks)]
    a = _lane_topk(chunks[:16], _PLAN16)
    b = _lane_topk(chunks[16:], _PLAN16)
    return jnp.concatenate(
        [jnp.maximum(a[i], b[_K - 1 - i]) for i in range(_K)], axis=1)


def _pass_a(wr_ref, wc_ref, s_ref, c_ref):
    i = pl.program_id(0)
    wr = wr_ref[...]
    wc = wc_ref[...]
    r, n = wr.shape
    s = jnp.maximum(jnp.maximum(wr, 0.0), jnp.maximum(wc, 0.0).T)
    col = jax.lax.broadcasted_iota(jnp.int32, (r, n), 1)
    row = jax.lax.broadcasted_iota(jnp.int32, (r, n), 0) + i * r
    s = jnp.where(col == row, s + 1.0, s)
    s_ref[...] = s
    c_ref[...] = _candidates(s)


def _pass_b(s_ref, t_ref, o_ref):
    s = s_ref[...]
    t = t_ref[0, 0, :][:, None]
    masked = jnp.where(s >= t, s, 0.0)
    ssum = jnp.sum(masked, axis=1, keepdims=True)
    o_ref[...] = masked * (1.0 / (ssum + 1e-8))


def _lane_reduce(x, op, scratch):
    del scratch
    acc = x[0]
    for j in range(1, 16):
        acc = op(acc, x[j])
    return acc


def _sc_thresholds(cands):
    n, w = cands.shape
    info = plsc.get_sparse_core_info()
    nw = info.num_cores * info.num_subcores
    rows_w = n // nw
    rb = 8
    unroll = 8
    mesh = plsc.VectorSubcoreMesh(core_axis_name="c", subcore_axis_name="s")

    @functools.partial(
        pl.kernel, mesh=mesh,
        out_type=jax.ShapeDtypeStruct((n, 16), jnp.float32),
        scratch_types=[
            pltpu.VMEM((rb, w), jnp.float32),
            pltpu.VMEM((rows_w, 16), jnp.float32),
            pltpu.VMEM((16,), jnp.float32),
        ],
    )
    def k(c_hbm, t_hbm, buf, tbuf, sbuf):
        wid = lax.axis_index("s") * info.num_cores + lax.axis_index("c")
        base = wid * rows_w

        def batch_body(bi, _):
            pltpu.sync_copy(c_hbm.at[pl.ds(base + bi * rb, rb)], buf)

            def row_body(rr, _):
                def one_iter(_k2, carry):
                    t, c = carry
                    t16 = jnp.full((16,), t, jnp.float32)

                    def scan_m(j, macc):
                        for u in range(unroll):
                            x = buf[rr, pl.ds((j * unroll + u) * 16, 16)]
                            macc = jnp.maximum(
                                macc, jnp.where(x < t16, x, -1.0))
                        return macc

                    macc = lax.fori_loop(
                        0, w // 16 // unroll, scan_m,
                        jnp.full((16,), -1.0, jnp.float32))
                    m = _lane_reduce(macc, jnp.maximum, sbuf)
                    m16 = jnp.full((16,), m, jnp.float32)

                    def scan_c(j, cacc):
                        for u in range(unroll):
                            x = buf[rr, pl.ds((j * unroll + u) * 16, 16)]
                            cacc = cacc + jnp.where(x >= m16, 1.0, 0.0)
                        return cacc

                    cacc = lax.fori_loop(
                        0, w // 16 // unroll, scan_c,
                        jnp.zeros((16,), jnp.float32))
                    cnt = _lane_reduce(cacc, jnp.add, sbuf)
                    upd = c < float(_K)
                    return (jnp.where(upd, m, t), jnp.where(upd, cnt, c))

                t, _c = lax.fori_loop(
                    0, _K, one_iter,
                    (jnp.float32(jnp.inf), jnp.float32(0.0)))
                tbuf[bi * rb + rr] = jnp.full((16,), t, jnp.float32)
                return 0

            lax.fori_loop(0, rb, row_body, 0)
            return 0

        lax.fori_loop(0, rows_w // rb, batch_body, 0)
        pltpu.sync_copy(tbuf, t_hbm.at[pl.ds(base, rows_w)])

    return k(cands)


def kernel(W):
    n = W.shape[0]
    g = n // _R
    row_spec = pl.BlockSpec((_R, n), lambda i: (i, 0))
    col_spec = pl.BlockSpec((n, _R), lambda i: (0, i))
    cand_spec = pl.BlockSpec((_R, 1280), lambda i: (i, 0))
    vec_spec = pl.BlockSpec((1, 1, _R), lambda i: (i, 0, 0))

    s_full, cands = pl.pallas_call(
        _pass_a,
        grid=(g,),
        in_specs=[row_spec, col_spec],
        out_specs=[row_spec, cand_spec],
        out_shape=[
            jax.ShapeDtypeStruct((n, n), jnp.float32),
            jax.ShapeDtypeStruct((n, 1280), jnp.float32),
        ],
    )(W, W)

    t = _sc_thresholds(cands)[:, 0].reshape(g, 1, _R)

    return pl.pallas_call(
        _pass_b,
        grid=(g,),
        in_specs=[row_spec, vec_spec],
        out_specs=row_spec,
        out_shape=jax.ShapeDtypeStruct((n, n), jnp.float32),
    )(s_full, t)

# --- scband reference (transcript-rebuilt; emitter-appended) ---
"""Pipeline reference for scband-adj-model-19567871000780 (READ-ONLY COPY).

The authoritative reference and input builder live on the scoring server;
editing this copy changes nothing except your own understanding.
"""

import jax, jax.numpy as jnp
import numpy as np

N = 4096

def setup_inputs(seed: int = 0) -> dict:
    key = jax.random.key(seed)
    # xavier_uniform for (N, N): bound = sqrt(6 / (fan_in + fan_out)) = sqrt(6 / (2N))
    bound = float(np.sqrt(6.0 / (N + N)))
    W = jax.random.uniform(key, (N, N), dtype=jnp.float32, minval=-bound, maxval=bound)
    return {"W": W}

def reference(W):
    n = W.shape[0]
    weight_relu = jax.nn.relu(W)
    weight_relu = weight_relu + jnp.eye(n, dtype=W.dtype)
    weight_upper = jnp.triu(weight_relu)
    weight_lower = jnp.tril(weight_relu).T
    weight_symmetric = jnp.maximum(weight_upper, weight_lower)
    weight_symmetric = weight_symmetric + weight_symmetric.T - jnp.diag(jnp.diagonal(weight_symmetric))
    k = 10
    topk_vals, _ = jax.lax.top_k(weight_symmetric, k)
    mask = weight_symmetric >= topk_vals[:, -1:]
    weight_topk = weight_symmetric * mask.astype(weight_symmetric.dtype)
    weight_sum = jnp.sum(weight_topk, axis=1, keepdims=True) + 1e-08
    weight_normalized = weight_topk / weight_sum
    return weight_normalized

if __name__ == "__main__":
    import jax
    _d = setup_inputs()
    print(jax.jit(kernel)(*tuple(_d.values())))

</pallas_src>

<mosaic_0001>
#map = affine_map<(d0, d1) -> (0, 0)>
module attributes {stable_mosaic.version = 14 : i64} {
  func.func @k(%arg0: i32, %arg1: i32, %arg2: memref<4096x1280xf32, #tpu.memory_space<hbm>>, %arg3: memref<4096x16xf32, #tpu.memory_space<hbm>>, %arg4: memref<8x1280xf32, #tpu.memory_space<vmem>>, %arg5: memref<128x16xf32, #tpu.memory_space<vmem>>, %arg6: memref<16xf32, #tpu.memory_space<vmem>>) attributes {dimension_semantics = [#tpu.dimension_semantics<core_parallel>, #tpu.dimension_semantics<subcore_parallel>], iteration_bounds = array<i64: 2, 16>, scalar_prefetch = 0 : i64, scratch_operands = 3 : i64, tpu.core_type = #tpu.core_type<sc_vector_subcore>, window_params = [{transform_indices = #map}, {transform_indices = #map}]} {
    %mul3A = arith.constant 2 : i32
    %mul3A_0 = arith.muli %arg1, %mul3A : i32
    %add3A = arith.addi %mul3A_0, %arg0 : i32
    %mul3A_1 = arith.constant 128 : i32
    %mul3A_2 = arith.muli %add3A, %mul3A_1 : i32
    %scan3A = arith.constant 0 : i32
    %scan3A_3 = arith.constant 0 : i32
    %scan3A_4 = arith.constant 16 : i32
    %scan3A_5 = arith.addi %scan3A_3, %scan3A_4 : i32
    %scan3A_6 = arith.constant 1 : i32
    %scan3A_7 = scf.for %scan3A_9 = %scan3A_3 to %scan3A_5 step %scan3A_6 iter_args(%scan3A_10 = %scan3A) -> (i32)  : i32 {
      %mul3A_11 = arith.constant 8 : i32
      %mul3A_12 = arith.muli %scan3A_9, %mul3A_11 : i32
      %add3A_13 = arith.addi %mul3A_2, %mul3A_12 : i32
      "tpu.region"() ({
        %run_scoped3A = tpu.sem_alloc : memref<!tpu.dma_semaphore, #tpu.memory_space<semaphore_mem>>
        %dma_start3A = arith.constant 0 : i32
        %dma_start3A_22 = tpu.memref_slice %arg2[%add3A_13, %dma_start3A] : memref<4096x1280xf32, #tpu.memory_space<hbm>> -> memref<8x1280xf32, #tpu.memory_space<hbm>>
        %dma_start3A_23 = arith.constant 0 : i32
        %dma_start3A_24 = tpu.memref_slice %arg2[%add3A_13, %dma_start3A_23] : memref<4096x1280xf32, #tpu.memory_space<hbm>> -> memref<8x1280xf32, #tpu.memory_space<hbm>>
        tpu.enqueue_dma source(%dma_start3A_24 : memref<8x1280xf32, #tpu.memory_space<hbm>>) target(%arg4 : memref<8x1280xf32, #tpu.memory_space<vmem>>) target_semaphore(%run_scoped3A : memref<!tpu.dma_semaphore, #tpu.memory_space<semaphore_mem>>)
        %dma_wait3A = arith.constant 0 : i32
        %dma_wait3A_25 = tpu.memref_slice %arg2[%add3A_13, %dma_wait3A] : memref<4096x1280xf32, #tpu.memory_space<hbm>> -> memref<8x1280xf32, #tpu.memory_space<hbm>>
        %dma_wait3A_26 = arith.constant 0 : i32
        %dma_wait3A_27 = tpu.memref_slice %arg2[%add3A_13, %dma_wait3A_26] : memref<4096x1280xf32, #tpu.memory_space<hbm>> -> memref<8x1280xf32, #tpu.memory_space<hbm>>
        tpu.wait_dma2 semaphore(%run_scoped3A : memref<!tpu.dma_semaphore, #tpu.memory_space<semaphore_mem>>) src(%dma_wait3A_27 : memref<8x1280xf32, #tpu.memory_space<hbm>>) dst(%arg4 : memref<8x1280xf32, #tpu.memory_space<vmem>>)
        tpu.yield
      }) : () -> ()
      %scan3A_14 = arith.constant 0 : i32
      %scan3A_15 = arith.constant 0 : i32
      %scan3A_16 = arith.constant 8 : i32
      %scan3A_17 = arith.addi %scan3A_15, %scan3A_16 : i32
      %scan3A_18 = arith.constant 1 : i32
      %scan3A_19 = scf.for %scan3A_22 = %scan3A_15 to %scan3A_17 step %scan3A_18 iter_args(%scan3A_23 = %scan3A_14) -> (i32)  : i32 {
        %scan3A_24 = arith.constant 0x7F800000 : f32
        %scan3A_25 = arith.constant 0.000000e+00 : f32
        %scan3A_26 = arith.constant 0 : i32
        %scan3A_27 = arith.constant 10 : i32
        %scan3A_28 = arith.addi %scan3A_26, %scan3A_27 : i32
        %scan3A_29 = arith.constant 1 : i32
        %scan3A_30:2 = scf.for %scan3A_40 = %scan3A_26 to %scan3A_28 step %scan3A_29 iter_args(%scan3A_41 = %scan3A_24, %scan3A_42 = %scan3A_25) -> (f32, f32)  : i32 {
          %broadcast_in_dim3A_43 = vector.broadcast %scan3A_41 : f32 to vector<16xf32>
          %broadcast_in_dim3A_44 = arith.constant -1.000000e+00 : f32
          %broadcast_in_dim3A_45 = vector.broadcast %broadcast_in_dim3A_44 : f32 to vector<16xf32>
          %scan3A_46 = arith.constant 0 : i32
          %scan3A_47 = arith.constant 10 : i32
          %scan3A_48 = arith.addi %scan3A_46, %scan3A_47 : i32
          %scan3A_49 = arith.constant 1 : i32
          %scan3A_50 = scf.for %scan3A_154 = %scan3A_46 to %scan3A_48 step %scan3A_49 iter_args(%scan3A_155 = %broadcast_in_dim3A_45) -> (vector<16xf32>)  : i32 {
            %mul3A_156 = arith.constant 8 : i32
            %mul3A_157 = arith.muli %scan3A_154, %mul3A_156 : i32
            %add3A_158 = arith.constant 0 : i32
            %add3A_159 = arith.addi %mul3A_157, %add3A_158 : i32
            %mul3A_160 = arith.constant 16 : i32
            %mul3A_161 = arith.muli %add3A_159, %mul3A_160 : i32
            %get3A = arith.index_cast %scan3A_22 : i32 to index
            %get3A_162 = arith.index_cast %mul3A_161 : i32 to index
            %get3A_163 = tpu.vector_load %arg4[%get3A, %get3A_162] {strides = array<i32>} : memref<8x1280xf32, #tpu.memory_space<vmem>>, vector<1x16xf32>,
            %get3A_164 = vector.shape_cast %get3A_163 : vector<1x16xf32> to vector<16xf32>
            %lt3A_165 = arith.cmpf olt, %get3A_164, %broadcast_in_dim3A_43 : vector<16xf32>
            %jit3A = arith.constant -1.000000e+00 : f32
            %broadcast_in_dim3A_166 = vector.broadcast %jit3A : f32 to vector<16xf32>
            %select_n3A_167 = arith.select %lt3A_165, %get3A_164, %broadcast_in_dim3A_166 : vector<16xi1>, vector<16xf32>
            %max3A_168 = arith.maximumf %scan3A_155, %select_n3A_167 : vector<16xf32>
            %mul3A_169 = arith.constant 8 : i32
            %mul3A_170 = arith.muli %scan3A_154, %mul3A_169 : i32
            %add3A_171 = arith.constant 1 : i32
            %add3A_172 = arith.addi %mul3A_170, %add3A_171 : i32
            %mul3A_173 = arith.constant 16 : i32
            %mul3A_174 = arith.muli %add3A_172, %mul3A_173 : i32
            %get3A_175 = arith.index_cast %scan3A_22 : i32 to index
            %get3A_176 = arith.index_cast %mul3A_174 : i32 to index
            %get3A_177 = tpu.vector_load %arg4[%get3A_175, %get3A_176] {strides = array<i32>} : memref<8x1280xf32, #tpu.memory_space<vmem>>, vector<1x16xf32>,
            %get3A_178 = vector.shape_cast %get3A_177 : vector<1x16xf32> to vector<16xf32>
            %lt3A_179 = arith.cmpf olt, %get3A_178, %broadcast_in_dim3A_43 : vector<16xf32>
            %jit3A_180 = arith.constant -1.000000e+00 : f32
            %broadcast_in_dim3A_181 = vector.broadcast %jit3A_180 : f32 to vector<16xf32>
            %select_n3A_182 = arith.select %lt3A_179, %get3A_178, %broadcast_in_dim3A_181 : vector<16xi1>, vector<16xf32>
            %max3A_183 = arith.maximumf %max3A_168, %select_n3A_182 : vector<16xf32>
            %mul3A_184 = arith.constant 8 : i32
            %mul3A_185 = arith.muli %scan3A_154, %mul3A_184 : i32
            %add3A_186 = arith.constant 2 : i32
            %add3A_187 = arith.addi %mul3A_185, %add3A_186 : i32
            %mul3A_188 = arith.constant 16 : i32
            %mul3A_189 = arith.muli %add3A_187, %mul3A_188 : i32
            %get3A_190 = arith.index_cast %scan3A_22 : i32 to index
            %get3A_191 = arith.index_cast %mul3A_189 : i32 to index
            %get3A_192 = tpu.vector_load %arg4[%get3A_190, %get3A_191] {strides = array<i32>} : memref<8x1280xf32, #tpu.memory_space<vmem>>, vector<1x16xf32>,
            %get3A_193 = vector.shape_cast %get3A_192 : vector<1x16xf32> to vector<16xf32>
            %lt3A_194 = arith.cmpf olt, %get3A_193, %broadcast_in_dim3A_43 : vector<16xf32>
            %jit3A_195 = arith.constant -1.000000e+00 : f32
            %broadcast_in_dim3A_196 = vector.broadcast %jit3A_195 : f32 to vector<16xf32>
            %select_n3A_197 = arith.select %lt3A_194, %get3A_193, %broadcast_in_dim3A_196 : vector<16xi1>, vector<16xf32>
            %max3A_198 = arith.maximumf %max3A_183, %select_n3A_197 : vector<16xf32>
            %mul3A_199 = arith.constant 8 : i32
            %mul3A_200 = arith.muli %scan3A_154, %mul3A_199 : i32
            %add3A_201 = arith.constant 3 : i32
            %add3A_202 = arith.addi %mul3A_200, %add3A_201 : i32
            %mul3A_203 = arith.constant 16 : i32
            %mul3A_204 = arith.muli %add3A_202, %mul3A_203 : i32
            %get3A_205 = arith.index_cast %scan3A_22 : i32 to index
            %get3A_206 = arith.index_cast %mul3A_204 : i32 to index
            %get3A_207 = tpu.vector_load %arg4[%get3A_205, %get3A_206] {strides = array<i32>} : memref<8x1280xf32, #tpu.memory_space<vmem>>, vector<1x16xf32>,
            %get3A_208 = vector.shape_cast %get3A_207 : vector<1x16xf32> to vector<16xf32>
            %lt3A_209 = arith.cmpf olt, %get3A_208, %broadcast_in_dim3A_43 : vector<16xf32>
            %jit3A_210 = arith.constant -1.000000e+00 : f32
            %broadcast_in_dim3A_211 = vector.broadcast %jit3A_210 : f32 to vector<16xf32>
            %select_n3A_212 = arith.select %lt3A_209, %get3A_208, %broadcast_in_dim3A_211 : vector<16xi1>, vector<16xf32>
            %max3A_213 = arith.maximumf %max3A_198, %select_n3A_212 : vector<16xf32>
            %mul3A_214 = arith.constant 8 : i32
            %mul3A_215 = arith.muli %scan3A_154, %mul3A_214 : i32
            %add3A_216 = arith.constant 4 : i32
            %add3A_217 = arith.addi %mul3A_215, %add3A_216 : i32
            %mul3A_218 = arith.constant 16 : i32
            %mul3A_219 = arith.muli %add3A_217, %mul3A_218 : i32
            %get3A_220 = arith.index_cast %scan3A_22 : i32 to index
            %get3A_221 = arith.index_cast %mul3A_219 : i32 to index
            %get3A_222 = tpu.vector_load %arg4[%get3A_220, %get3A_221] {strides = array<i32>} : memref<8x1280xf32, #tpu.memory_space<vmem>>, vector<1x16xf32>,
            %get3A_223 = vector.shape_cast %get3A_222 : vector<1x16xf32> to vector<16xf32>
            %lt3A_224 = arith.cmpf olt, %get3A_223, %broadcast_in_dim3A_43 : vector<16xf32>
            %jit3A_225 = arith.constant -1.000000e+00 : f32
            %broadcast_in_dim3A_226 = vector.broadcast %jit3A_225 : f32 to vector<16xf32>
            %select_n3A_227 = arith.select %lt3A_224, %get3A_223, %broadcast_in_dim3A_226 : vector<16xi1>, vector<16xf32>
            %max3A_228 = arith.maximumf %max3A_213, %select_n3A_227 : vector<16xf32>
            %mul3A_229 = arith.constant 8 : i32
            %mul3A_230 = arith.muli %scan3A_154, %mul3A_229 : i32
            %add3A_231 = arith.constant 5 : i32
            %add3A_232 = arith.addi %mul3A_230, %add3A_231 : i32
            %mul3A_233 = arith.constant 16 : i32
            %mul3A_234 = arith.muli %add3A_232, %mul3A_233 : i32
            %get3A_235 = arith.index_cast %scan3A_22 : i32 to index
            %get3A_236 = arith.index_cast %mul3A_234 : i32 to index
            %get3A_237 = tpu.vector_load %arg4[%get3A_235, %get3A_236] {strides = array<i32>} : memref<8x1280xf32, #tpu.memory_space<vmem>>, vector<1x16xf32>,
            %get3A_238 = vector.shape_cast %get3A_237 : vector<1x16xf32> to vector<16xf32>
            %lt3A_239 = arith.cmpf olt, %get3A_238, %broadcast_in_dim3A_43 : vector<16xf32>
            %jit3A_240 = arith.constant -1.000000e+00 : f32
            %broadcast_in_dim3A_241 = vector.broadcast %jit3A_240 : f32 to vector<16xf32>
            %select_n3A_242 = arith.select %lt3A_239, %get3A_238, %broadcast_in_dim3A_241 : vector<16xi1>, vector<16xf32>
            %max3A_243 = arith.maximumf %max3A_228, %select_n3A_242 : vector<16xf32>
            %mul3A_244 = arith.constant 8 : i32
            %mul3A_245 = arith.muli %scan3A_154, %mul3A_244 : i32
            %add3A_246 = arith.constant 6 : i32
            %add3A_247 = arith.addi %mul3A_245, %add3A_246 : i32
            %mul3A_248 = arith.constant 16 : i32
            %mul3A_249 = arith.muli %add3A_247, %mul3A_248 : i32
            %get3A_250 = arith.index_cast %scan3A_22 : i32 to index
            %get3A_251 = arith.index_cast %mul3A_249 : i32 to index
            %get3A_252 = tpu.vector_load %arg4[%get3A_250, %get3A_251] {strides = array<i32>} : memref<8x1280xf32, #tpu.memory_space<vmem>>, vector<1x16xf32>,
            %get3A_253 = vector.shape_cast %get3A_252 : vector<1x16xf32> to vector<16xf32>
            %lt3A_254 = arith.cmpf olt, %get3A_253, %broadcast_in_dim3A_43 : vector<16xf32>
            %jit3A_255 = arith.constant -1.000000e+00 : f32
            %broadcast_in_dim3A_256 = vector.broadcast %jit3A_255 : f32 to vector<16xf32>
            %select_n3A_257 = arith.select %lt3A_254, %get3A_253, %broadcast_in_dim3A_256 : vector<16xi1>, vector<16xf32>
            %max3A_258 = arith.maximumf %max3A_243, %select_n3A_257 : vector<16xf32>
            %mul3A_259 = arith.constant 8 : i32
            %mul3A_260 = arith.muli %scan3A_154, %mul3A_259 : i32
            %add3A_261 = arith.constant 7 : i32
            %add3A_262 = arith.addi %mul3A_260, %add3A_261 : i32
            %mul3A_263 = arith.constant 16 : i32
            %mul3A_264 = arith.muli %add3A_262, %mul3A_263 : i32
            %get3A_265 = arith.index_cast %scan3A_22 : i32 to index
            %get3A_266 = arith.index_cast %mul3A_264 : i32 to index
            %get3A_267 = tpu.vector_load %arg4[%get3A_265, %get3A_266] {strides = array<i32>} : memref<8x1280xf32, #tpu.memory_space<vmem>>, vector<1x16xf32>,
            %get3A_268 = vector.shape_cast %get3A_267 : vector<1x16xf32> to vector<16xf32>
            %lt3A_269 = arith.cmpf olt, %get3A_268, %broadcast_in_dim3A_43 : vector<16xf32>
            %jit3A_270 = arith.constant -1.000000e+00 : f32
            %broadcast_in_dim3A_271 = vector.broadcast %jit3A_270 : f32 to vector<16xf32>
            %select_n3A_272 = arith.select %lt3A_269, %get3A_268, %broadcast_in_dim3A_271 : vector<16xi1>, vector<16xf32>
            %max3A_273 = arith.maximumf %max3A_258, %select_n3A_272 : vector<16xf32>
            scf.yield %max3A_273 : vector<16xf32>
          }
          %scan3A_51 = arith.constant 10 : i32
          %slice3A = vector.extract_strided_slice %scan3A_50 {offsets = [0], sizes = [1], strides = [1]} : vector<16xf32> to vector<1xf32>
          %squeeze3A = vector.extract %slice3A[0] : f32 from vector<1xf32>
          %slice3A_52 = vector.extract_strided_slice %scan3A_50 {offsets = [1], sizes = [1], strides = [1]} : vector<16xf32> to vector<1xf32>
          %squeeze3A_53 = vector.extract %slice3A_52[0] : f32 from vector<1xf32>
          %max3A = arith.maximumf %squeeze3A, %squeeze3A_53 : f32
          %slice3A_54 = vector.extract_strided_slice %scan3A_50 {offsets = [2], sizes = [1], strides = [1]} : vector<16xf32> to vector<1xf32>
          %squeeze3A_55 = vector.extract %slice3A_54[0] : f32 from vector<1xf32>
          %max3A_56 = arith.maximumf %max3A, %squeeze3A_55 : f32
          %slice3A_57 = vector.extract_strided_slice %scan3A_50 {offsets = [3], sizes = [1], strides = [1]} : vector<16xf32> to vector<1xf32>
          %squeeze3A_58 = vector.extract %slice3A_57[0] : f32 from vector<1xf32>
          %max3A_59 = arith.maximumf %max3A_56, %squeeze3A_58 : f32
          %slice3A_60 = vector.extract_strided_slice %scan3A_50 {offsets = [4], sizes = [1], strides = [1]} : vector<16xf32> to vector<1xf32>
          %squeeze3A_61 = vector.extract %slice3A_60[0] : f32 from vector<1xf32>
          %max3A_62 = arith.maximumf %max3A_59, %squeeze3A_61 : f32
          %slice3A_63 = vector.extract_strided_slice %scan3A_50 {offsets = [5], sizes = [1], strides = [1]} : vector<16xf32> to vector<1xf32>
          %squeeze3A_64 = vector.extract %slice3A_63[0] : f32 from vector<1xf32>
          %max3A_65 = arith.maximumf %max3A_62, %squeeze3A_64 : f32
          %slice3A_66 = vector.extract_strided_slice %scan3A_50 {offsets = [6], sizes = [1], strides = [1]} : vector<16xf32> to vector<1xf32>
          %squeeze3A_67 = vector.extract %slice3A_66[0] : f32 from vector<1xf32>
          %max3A_68 = arith.maximumf %max3A_65, %squeeze3A_67 : f32
          %slice3A_69 = vector.extract_strided_slice %scan3A_50 {offsets = [7], sizes = [1], strides = [1]} : vector<16xf32> to vector<1xf32>
          %squeeze3A_70 = vector.extract %slice3A_69[0] : f32 from vector<1xf32>
          %max3A_71 = arith.maximumf %max3A_68, %squeeze3A_70 : f32
          %slice3A_72 = vector.extract_strided_slice %scan3A_50 {offsets = [8], sizes = [1], strides = [1]} : vector<16xf32> to vector<1xf32>
          %squeeze3A_73 = vector.extract %slice3A_72[0] : f32 from vector<1xf32>
          %max3A_74 = arith.maximumf %max3A_71, %squeeze3A_73 : f32
          %slice3A_75 = vector.extract_strided_slice %scan3A_50 {offsets = [9], sizes = [1], strides = [1]} : vector<16xf32> to vector<1xf32>
          %squeeze3A_76 = vector.extract %slice3A_75[0] : f32 from vector<1xf32>
          %max3A_77 = arith.maximumf %max3A_74, %squeeze3A_76 : f32
          %slice3A_78 = vector.extract_strided_slice %scan3A_50 {offsets = [10], sizes = [1], strides = [1]} : vector<16xf32> to vector<1xf32>
          %squeeze3A_79 = vector.extract %slice3A_78[0] : f32 from vector<1xf32>
          %max3A_80 = arith.maximumf %max3A_77, %squeeze3A_79 : f32
          %slice3A_81 = vector.extract_strided_slice %scan3A_50 {offsets = [11], sizes = [1], strides = [1]} : vector<16xf32> to vector<1xf32>
          %squeeze3A_82 = vector.extract %slice3A_81[0] : f32 from vector<1xf32>
          %max3A_83 = arith.maximumf %max3A_80, %squeeze3A_82 : f32
          %slice3A_84 = vector.extract_strided_slice %scan3A_50 {offsets = [12], sizes = [1], strides = [1]} : vector<16xf32> to vector<1xf32>
          %squeeze3A_85 = vector.extract %slice3A_84[0] : f32 from vector<1xf32>
          %max3A_86 = arith.maximumf %max3A_83, %squeeze3A_85 : f32
          %slice3A_87 = vector.extract_strided_slice %scan3A_50 {offsets = [13], sizes = [1], strides = [1]} : vector<16xf32> to vector<1xf32>
          %squeeze3A_88 = vector.extract %slice3A_87[0] : f32 from vector<1xf32>
          %max3A_89 = arith.maximumf %max3A_86, %squeeze3A_88 : f32
          %slice3A_90 = vector.extract_strided_slice %scan3A_50 {offsets = [14], sizes = [1], strides = [1]} : vector<16xf32> to vector<1xf32>
          %squeeze3A_91 = vector.extract %slice3A_90[0] : f32 from vector<1xf32>
          %max3A_92 = arith.maximumf %max3A_89, %squeeze3A_91 : f32
          %slice3A_93 = vector.extract_strided_slice %scan3A_50 {offsets = [15], sizes = [1], strides = [1]} : vector<16xf32> to vector<1xf32>
          %squeeze3A_94 = vector.extract %slice3A_93[0] : f32 from vector<1xf32>
          %max3A_95 = arith.maximumf %max3A_92, %squeeze3A_94 : f32
          %broadcast_in_dim3A_96 = vector.broadcast %max3A_95 : f32 to vector<16xf32>
          %broadcast_in_dim3A_97 = arith.constant 0.000000e+00 : f32
          %broadcast_in_dim3A_98 = vector.broadcast %broadcast_in_dim3A_97 : f32 to vector<16xf32>
          %scan3A_99 = arith.constant 0 : i32
          %scan3A_100 = arith.constant 10 : i32
          %scan3A_101 = arith.addi %scan3A_99, %scan3A_100 : i32
          %scan3A_102 = arith.constant 1 : i32
          %scan3A_103 = scf.for %scan3A_154 = %scan3A_99 to %scan3A_101 step %scan3A_102 iter_args(%scan3A_155 = %broadcast_in_dim3A_98) -> (vector<16xf32>)  : i32 {
            %mul3A_156 = arith.constant 8 : i32
            %mul3A_157 = arith.muli %scan3A_154, %mul3A_156 : i32
            %add3A_158 = arith.constant 0 : i32
            %add3A_159 = arith.addi %mul3A_157, %add3A_158 : i32
            %mul3A_160 = arith.constant 16 : i32
            %mul3A_161 = arith.muli %add3A_159, %mul3A_160 : i32
            %get3A = arith.index_cast %scan3A_22 : i32 to index
            %get3A_162 = arith.index_cast %mul3A_161 : i32 to index
            %get3A_163 = tpu.vector_load %arg4[%get3A, %get3A_162] {strides = array<i32>} : memref<8x1280xf32, #tpu.memory_space<vmem>>, vector<1x16xf32>,
            %get3A_164 = vector.shape_cast %get3A_163 : vector<1x16xf32> to vector<16xf32>
            %ge3A = arith.cmpf oge, %get3A_164, %broadcast_in_dim3A_96 : vector<16xf32>
            %jit3A = arith.constant 1.000000e+00 : f32
            %jit3A_165 = arith.constant 0.000000e+00 : f32
            %broadcast_in_dim3A_166 = vector.broadcast %jit3A : f32 to vector<16xf32>
            %broadcast_in_dim3A_167 = vector.broadcast %jit3A_165 : f32 to vector<16xf32>
            %select_n3A_168 = arith.select %ge3A, %broadcast_in_dim3A_166, %broadcast_in_dim3A_167 : vector<16xi1>, vector<16xf32>
            %add3A_169 = arith.addf %scan3A_155, %select_n3A_168 : vector<16xf32>
            %mul3A_170 = arith.constant 8 : i32
            %mul3A_171 = arith.muli %scan3A_154, %mul3A_170 : i32
            %add3A_172 = arith.constant 1 : i32
            %add3A_173 = arith.addi %mul3A_171, %add3A_172 : i32
            %mul3A_174 = arith.constant 16 : i32
            %mul3A_175 = arith.muli %add3A_173, %mul3A_174 : i32
            %get3A_176 = arith.index_cast %scan3A_22 : i32 to index
            %get3A_177 = arith.index_cast %mul3A_175 : i32 to index
            %get3A_178 = tpu.vector_load %arg4[%get3A_176, %get3A_177] {strides = array<i32>} : memref<8x1280xf32, #tpu.memory_space<vmem>>, vector<1x16xf32>,
            %get3A_179 = vector.shape_cast %get3A_178 : vector<1x16xf32> to vector<16xf32>
            %ge3A_180 = arith.cmpf oge, %get3A_179, %broadcast_in_dim3A_96 : vector<16xf32>
            %jit3A_181 = arith.constant 1.000000e+00 : f32
            %jit3A_182 = arith.constant 0.000000e+00 : f32
            %broadcast_in_dim3A_183 = vector.broadcast %jit3A_181 : f32 to vector<16xf32>
            %broadcast_in_dim3A_184 = vector.broadcast %jit3A_182 : f32 to vector<16xf32>
            %select_n3A_185 = arith.select %ge3A_180, %broadcast_in_dim3A_183, %broadcast_in_dim3A_184 : vector<16xi1>, vector<16xf32>
            %add3A_186 = arith.addf %add3A_169, %select_n3A_185 : vector<16xf32>
            %mul3A_187 = arith.constant 8 : i32
            %mul3A_188 = arith.muli %scan3A_154, %mul3A_187 : i32
            %add3A_189 = arith.constant 2 : i32
            %add3A_190 = arith.addi %mul3A_188, %add3A_189 : i32
            %mul3A_191 = arith.constant 16 : i32
            %mul3A_192 = arith.muli %add3A_190, %mul3A_191 : i32
            %get3A_193 = arith.index_cast %scan3A_22 : i32 to index
            %get3A_194 = arith.index_cast %mul3A_192 : i32 to index
            %get3A_195 = tpu.vector_load %arg4[%get3A_193, %get3A_194] {strides = array<i32>} : memref<8x1280xf32, #tpu.memory_space<vmem>>, vector<1x16xf32>,
            %get3A_196 = vector.shape_cast %get3A_195 : vector<1x16xf32> to vector<16xf32>
            %ge3A_197 = arith.cmpf oge, %get3A_196, %broadcast_in_dim3A_96 : vector<16xf32>
            %jit3A_198 = arith.constant 1.000000e+00 : f32
            %jit3A_199 = arith.constant 0.000000e+00 : f32
            %broadcast_in_dim3A_200 = vector.broadcast %jit3A_198 : f32 to vector<16xf32>
            %broadcast_in_dim3A_201 = vector.broadcast %jit3A_199 : f32 to vector<16xf32>
            %select_n3A_202 = arith.select %ge3A_197, %broadcast_in_dim3A_200, %broadcast_in_dim3A_201 : vector<16xi1>, vector<16xf32>
            %add3A_203 = arith.addf %add3A_186, %select_n3A_202 : vector<16xf32>
            %mul3A_204 = arith.constant 8 : i32
            %mul3A_205 = arith.muli %scan3A_154, %mul3A_204 : i32
            %add3A_206 = arith.constant 3 : i32
            %add3A_207 = arith.addi %mul3A_205, %add3A_206 : i32
            %mul3A_208 = arith.constant 16 : i32
            %mul3A_209 = arith.muli %add3A_207, %mul3A_208 : i32
            %get3A_210 = arith.index_cast %scan3A_22 : i32 to index
            %get3A_211 = arith.index_cast %mul3A_209 : i32 to index
            %get3A_212 = tpu.vector_load %arg4[%get3A_210, %get3A_211] {strides = array<i32>} : memref<8x1280xf32, #tpu.memory_space<vmem>>, vector<1x16xf32>,
            %get3A_213 = vector.shape_cast %get3A_212 : vector<1x16xf32> to vector<16xf32>
            %ge3A_214 = arith.cmpf oge, %get3A_213, %broadcast_in_dim3A_96 : vector<16xf32>
            %jit3A_215 = arith.constant 1.000000e+00 : f32
            %jit3A_216 = arith.constant 0.000000e+00 : f32
            %broadcast_in_dim3A_217 = vector.broadcast %jit3A_215 : f32 to vector<16xf32>
            %broadcast_in_dim3A_218 = vector.broadcast %jit3A_216 : f32 to vector<16xf32>
            %select_n3A_219 = arith.select %ge3A_214, %broadcast_in_dim3A_217, %broadcast_in_dim3A_218 : vector<16xi1>, vector<16xf32>
            %add3A_220 = arith.addf %add3A_203, %select_n3A_219 : vector<16xf32>
            %mul3A_221 = arith.constant 8 : i32
            %mul3A_222 = arith.muli %scan3A_154, %mul3A_221 : i32
            %add3A_223 = arith.constant 4 : i32
            %add3A_224 = arith.addi %mul3A_222, %add3A_223 : i32
            %mul3A_225 = arith.constant 16 : i32
            %mul3A_226 = arith.muli %add3A_224, %mul3A_225 : i32
            %get3A_227 = arith.index_cast %scan3A_22 : i32 to index
            %get3A_228 = arith.index_cast %mul3A_226 : i32 to index
            %get3A_229 = tpu.vector_load %arg4[%get3A_227, %get3A_228] {strides = array<i32>} : memref<8x1280xf32, #tpu.memory_space<vmem>>, vector<1x16xf32>,
            %get3A_230 = vector.shape_cast %get3A_229 : vector<1x16xf32> to vector<16xf32>
            %ge3A_231 = arith.cmpf oge, %get3A_230, %broadcast_in_dim3A_96 : vector<16xf32>
            %jit3A_232 = arith.constant 1.000000e+00 : f32
            %jit3A_233 = arith.constant 0.000000e+00 : f32
            %broadcast_in_dim3A_234 = vector.broadcast %jit3A_232 : f32 to vector<16xf32>
            %broadcast_in_dim3A_235 = vector.broadcast %jit3A_233 : f32 to vector<16xf32>
            %select_n3A_236 = arith.select %ge3A_231, %broadcast_in_dim3A_234, %broadcast_in_dim3A_235 : vector<16xi1>, vector<16xf32>
            %add3A_237 = arith.addf %add3A_220, %select_n3A_236 : vector<16xf32>
            %mul3A_238 = arith.constant 8 : i32
            %mul3A_239 = arith.muli %scan3A_154, %mul3A_238 : i32
            %add3A_240 = arith.constant 5 : i32
            %add3A_241 = arith.addi %mul3A_239, %add3A_240 : i32
            %mul3A_242 = arith.constant 16 : i32
            %mul3A_243 = arith.muli %add3A_241, %mul3A_242 : i32
            %get3A_244 = arith.index_cast %scan3A_22 : i32 to index
            %get3A_245 = arith.index_cast %mul3A_243 : i32 to index
            %get3A_246 = tpu.vector_load %arg4[%get3A_244, %get3A_245] {strides = array<i32>} : memref<8x1280xf32, #tpu.memory_space<vmem>>, vector<1x16xf32>,
            %get3A_247 = vector.shape_cast %get3A_246 : vector<1x16xf32> to vector<16xf32>
            %ge3A_248 = arith.cmpf oge, %get3A_247, %broadcast_in_dim3A_96 : vector<16xf32>
            %jit3A_249 = arith.constant 1.000000e+00 : f32
            %jit3A_250 = arith.constant 0.000000e+00 : f32
            %broadcast_in_dim3A_251 = vector.broadcast %jit3A_249 : f32 to vector<16xf32>
            %broadcast_in_dim3A_252 = vector.broadcast %jit3A_250 : f32 to vector<16xf32>
            %select_n3A_253 = arith.select %ge3A_248, %broadcast_in_dim3A_251, %broadcast_in_dim3A_252 : vector<16xi1>, vector<16xf32>
            %add3A_254 = arith.addf %add3A_237, %select_n3A_253 : vector<16xf32>
            %mul3A_255 = arith.constant 8 : i32
            %mul3A_256 = arith.muli %scan3A_154, %mul3A_255 : i32
            %add3A_257 = arith.constant 6 : i32
            %add3A_258 = arith.addi %mul3A_256, %add3A_257 : i32
            %mul3A_259 = arith.constant 16 : i32
            %mul3A_260 = arith.muli %add3A_258, %mul3A_259 : i32
            %get3A_261 = arith.index_cast %scan3A_22 : i32 to index
            %get3A_262 = arith.index_cast %mul3A_260 : i32 to index
            %get3A_263 = tpu.vector_load %arg4[%get3A_261, %get3A_262] {strides = array<i32>} : memref<8x1280xf32, #tpu.memory_space<vmem>>, vector<1x16xf32>,
            %get3A_264 = vector.shape_cast %get3A_263 : vector<1x16xf32> to vector<16xf32>
            %ge3A_265 = arith.cmpf oge, %get3A_264, %broadcast_in_dim3A_96 : vector<16xf32>
            %jit3A_266 = arith.constant 1.000000e+00 : f32
            %jit3A_267 = arith.constant 0.000000e+00 : f32
            %broadcast_in_dim3A_268 = vector.broadcast %jit3A_266 : f32 to vector<16xf32>
            %broadcast_in_dim3A_269 = vector.broadcast %jit3A_267 : f32 to vector<16xf32>
            %select_n3A_270 = arith.select %ge3A_265, %broadcast_in_dim3A_268, %broadcast_in_dim3A_269 : vector<16xi1>, vector<16xf32>
            %add3A_271 = arith.addf %add3A_254, %select_n3A_270 : vector<16xf32>
            %mul3A_272 = arith.constant 8 : i32
            %mul3A_273 = arith.muli %scan3A_154, %mul3A_272 : i32
            %add3A_274 = arith.constant 7 : i32
            %add3A_275 = arith.addi %mul3A_273, %add3A_274 : i32
            %mul3A_276 = arith.constant 16 : i32
            %mul3A_277 = arith.muli %add3A_275, %mul3A_276 : i32
            %get3A_278 = arith.index_cast %scan3A_22 : i32 to index
            %get3A_279 = arith.index_cast %mul3A_277 : i32 to index
            %get3A_280 = tpu.vector_load %arg4[%get3A_278, %get3A_279] {strides = array<i32>} : memref<8x1280xf32, #tpu.memory_space<vmem>>, vector<1x16xf32>,
            %get3A_281 = vector.shape_cast %get3A_280 : vector<1x16xf32> to vector<16xf32>
            %ge3A_282 = arith.cmpf oge, %get3A_281, %broadcast_in_dim3A_96 : vector<16xf32>
            %jit3A_283 = arith.constant 1.000000e+00 : f32
            %jit3A_284 = arith.constant 0.000000e+00 : f32
            %broadcast_in_dim3A_285 = vector.broadcast %jit3A_283 : f32 to vector<16xf32>
            %broadcast_in_dim3A_286 = vector.broadcast %jit3A_284 : f32 to vector<16xf32>
            %select_n3A_287 = arith.select %ge3A_282, %broadcast_in_dim3A_285, %broadcast_in_dim3A_286 : vector<16xi1>, vector<16xf32>
            %add3A_288 = arith.addf %add3A_271, %select_n3A_287 : vector<16xf32>
            scf.yield %add3A_288 : vector<16xf32>
          }
          %scan3A_104 = arith.constant 10 : i32
          %slice3A_105 = vector.extract_strided_slice %scan3A_103 {offsets = [0], sizes = [1], strides = [1]} : vector<16xf32> to vector<1xf32>
          %squeeze3A_106 = vector.extract %slice3A_105[0] : f32 from vector<1xf32>
          %slice3A_107 = vector.extract_strided_slice %scan3A_103 {offsets = [1], sizes = [1], strides = [1]} : vector<16xf32> to vector<1xf32>
          %squeeze3A_108 = vector.extract %slice3A_107[0] : f32 from vector<1xf32>
          %add3A_109 = arith.addf %squeeze3A_106, %squeeze3A_108 : f32
          %slice3A_110 = vector.extract_strided_slice %scan3A_103 {offsets = [2], sizes = [1], strides = [1]} : vector<16xf32> to vector<1xf32>
          %squeeze3A_111 = vector.extract %slice3A_110[0] : f32 from vector<1xf32>
          %add3A_112 = arith.addf %add3A_109, %squeeze3A_111 : f32
          %slice3A_113 = vector.extract_strided_slice %scan3A_103 {offsets = [3], sizes = [1], strides = [1]} : vector<16xf32> to vector<1xf32>
          %squeeze3A_114 = vector.extract %slice3A_113[0] : f32 from vector<1xf32>
          %add3A_115 = arith.addf %add3A_112, %squeeze3A_114 : f32
          %slice3A_116 = vector.extract_strided_slice %scan3A_103 {offsets = [4], sizes = [1], strides = [1]} : vector<16xf32> to vector<1xf32>
          %squeeze3A_117 = vector.extract %slice3A_116[0] : f32 from vector<1xf32>
          %add3A_118 = arith.addf %add3A_115, %squeeze3A_117 : f32
          %slice3A_119 = vector.extract_strided_slice %scan3A_103 {offsets = [5], sizes = [1], strides = [1]} : vector<16xf32> to vector<1xf32>
          %squeeze3A_120 = vector.extract %slice3A_119[0] : f32 from vector<1xf32>
          %add3A_121 = arith.addf %add3A_118, %squeeze3A_120 : f32
          %slice3A_122 = vector.extract_strided_slice %scan3A_103 {offsets = [6], sizes = [1], strides = [1]} : vector<16xf32> to vector<1xf32>
          %squeeze3A_123 = vector.extract %slice3A_122[0] : f32 from vector<1xf32>
          %add3A_124 = arith.addf %add3A_121, %squeeze3A_123 : f32
          %slice3A_125 = vector.extract_strided_slice %scan3A_103 {offsets = [7], sizes = [1], strides = [1]} : vector<16xf32> to vector<1xf32>
          %squeeze3A_126 = vector.extract %slice3A_125[0] : f32 from vector<1xf32>
          %add3A_127 = arith.addf %add3A_124, %squeeze3A_126 : f32
          %slice3A_128 = vector.extract_strided_slice %scan3A_103 {offsets = [8], sizes = [1], strides = [1]} : vector<16xf32> to vector<1xf32>
          %squeeze3A_129 = vector.extract %slice3A_128[0] : f32 from vector<1xf32>
          %add3A_130 = arith.addf %add3A_127, %squeeze3A_129 : f32
          %slice3A_131 = vector.extract_strided_slice %scan3A_103 {offsets = [9], sizes = [1], strides = [1]} : vector<16xf32> to vector<1xf32>
          %squeeze3A_132 = vector.extract %slice3A_131[0] : f32 from vector<1xf32>
          %add3A_133 = arith.addf %add3A_130, %squeeze3A_132 : f32
          %slice3A_134 = vector.extract_strided_slice %scan3A_103 {offsets = [10], sizes = [1], strides = [1]} : vector<16xf32> to vector<1xf32>
          %squeeze3A_135 = vector.extract %slice3A_134[0] : f32 from vector<1xf32>
          %add3A_136 = arith.addf %add3A_133, %squeeze3A_135 : f32
          %slice3A_137 = vector.extract_strided_slice %scan3A_103 {offsets = [11], sizes = [1], strides = [1]} : vector<16xf32> to vector<1xf32>
          %squeeze3A_138 = vector.extract %slice3A_137[0] : f32 from vector<1xf32>
          %add3A_139 = arith.addf %add3A_136, %squeeze3A_138 : f32
          %slice3A_140 = vector.extract_strided_slice %scan3A_103 {offsets = [12], sizes = [1], strides = [1]} : vector<16xf32> to vector<1xf32>
          %squeeze3A_141 = vector.extract %slice3A_140[0] : f32 from vector<1xf32>
          %add3A_142 = arith.addf %add3A_139, %squeeze3A_141 : f32
          %slice3A_143 = vector.extract_strided_slice %scan3A_103 {offsets = [13], sizes = [1], strides = [1]} : vector<16xf32> to vector<1xf32>
          %squeeze3A_144 = vector.extract %slice3A_143[0] : f32 from vector<1xf32>
          %add3A_145 = arith.addf %add3A_142, %squeeze3A_144 : f32
          %slice3A_146 = vector.extract_strided_slice %scan3A_103 {offsets = [14], sizes = [1], strides = [1]} : vector<16xf32> to vector<1xf32>
          %squeeze3A_147 = vector.extract %slice3A_146[0] : f32 from vector<1xf32>
          %add3A_148 = arith.addf %add3A_145, %squeeze3A_147 : f32
          %slice3A_149 = vector.extract_strided_slice %scan3A_103 {offsets = [15], sizes = [1], strides = [1]} : vector<16xf32> to vector<1xf32>
          %squeeze3A_150 = vector.extract %slice3A_149[0] : f32 from vector<1xf32>
          %add3A_151 = arith.addf %add3A_148, %squeeze3A_150 : f32
          %lt3A = arith.constant 1.000000e+01 : f32
          %lt3A_152 = arith.cmpf olt, %scan3A_42, %lt3A : f32
          %select_n3A = arith.select %lt3A_152, %max3A_95, %scan3A_41 : f32
          %select_n3A_153 = arith.select %lt3A_152, %add3A_151, %scan3A_42 : f32
          scf.yield %select_n3A, %select_n3A_153 : f32, f32
        }
        %scan3A_31 = arith.constant 10 : i32
        %broadcast_in_dim3A = vector.broadcast %scan3A_30#0 : f32 to vector<16xf32>
        %mul3A_32 = arith.constant 8 : i32
        %mul3A_33 = arith.muli %scan3A_9, %mul3A_32 : i32
        %add3A_34 = arith.addi %mul3A_33, %scan3A_22 : i32
        %swap3A = arith.index_cast %add3A_34 : i32 to index
        %swap3A_35 = arith.constant 0 : index
        %swap3A_36 = tpu.vector_load %arg5[%swap3A, %swap3A_35] {strides = array<i32>} : memref<128x16xf32, #tpu.memory_space<vmem>>, vector<1x16xf32>,
        %swap3A_37 = vector.shape_cast %swap3A_36 : vector<1x16xf32> to vector<16xf32>
        %swap3A_38 = vector.shape_cast %broadcast_in_dim3A : vector<16xf32> to vector<1x16xf32>
        tpu.vector_store %arg5[%swap3A, %swap3A_35], %swap3A_38 {strides = array<i32>} : memref<128x16xf32, #tpu.memory_space<vmem>>, vector<1x16xf32>,
        %scan3A_39 = arith.constant 0 : i32
        scf.yield %scan3A_39 : i32
      }
      %scan3A_20 = arith.constant 8 : i32
      %scan3A_21 = arith.constant 0 : i32
      scf.yield %scan3A_21 : i32
    }
    %scan3A_8 = arith.constant 16 : i32
    "tpu.region"() ({
      %run_scoped3A = tpu.sem_alloc : memref<!tpu.dma_semaphore, #tpu.memory_space<semaphore_mem>>
      %dma_start3A = arith.constant 0 : i32
      %dma_start3A_9 = tpu.memref_slice %arg3[%mul3A_2, %dma_start3A] : memref<4096x16xf32, #tpu.memory_space<hbm>> -> memref<128x16xf32, #tpu.memory_space<hbm>>
      %dma_start3A_10 = arith.constant 0 : i32
      %dma_start3A_11 = tpu.memref_slice %arg3[%mul3A_2, %dma_start3A_10] : memref<4096x16xf32, #tpu.memory_space<hbm>> -> memref<128x16xf32, #tpu.memory_space<hbm>>
      tpu.enqueue_dma source(%arg5 : memref<128x16xf32, #tpu.memory_space<vmem>>) target(%dma_start3A_11 : memref<128x16xf32, #tpu.memory_space<hbm>>) target_semaphore(%run_scoped3A : memref<!tpu.dma_semaphore, #tpu.memory_space<semaphore_mem>>)
      %dma_wait3A = arith.constant 0 : i32
      %dma_wait3A_12 = tpu.memref_slice %arg3[%mul3A_2, %dma_wait3A] : memref<4096x16xf32, #tpu.memory_space<hbm>> -> memref<128x16xf32, #tpu.memory_space<hbm>>
      %dma_wait3A_13 = arith.constant 0 : i32
      %dma_wait3A_14 = tpu.memref_slice %arg3[%mul3A_2, %dma_wait3A_13] : memref<4096x16xf32, #tpu.memory_space<hbm>> -> memref<128x16xf32, #tpu.memory_space<hbm>>
      tpu.wait_dma2 semaphore(%run_scoped3A : memref<!tpu.dma_semaphore, #tpu.memory_space<semaphore_mem>>) src(%arg5 : memref<128x16xf32, #tpu.memory_space<vmem>>) dst(%dma_wait3A_14 : memref<128x16xf32, #tpu.memory_space<hbm>>)
      tpu.yield
    }) : () -> ()
    return
  }
}

module attributes {stable_mosaic.version = 14 : i64} {
  func.func @_pass_b(%arg0: i32, %arg1: memref<256x4096xf32, #tpu.memory_space<vmem>>, %arg2: memref<1x1x256xf32, #tpu.memory_space<vmem>>, %arg3: memref<256x4096xf32, #tpu.memory_space<vmem>>) attributes {dimension_semantics = [#tpu.dimension_semantics<arbitrary>], iteration_bounds = array<i64: 16>, scalar_prefetch = 0 : i64, scratch_operands = 0 : i64, tpu.core_type = #tpu.core_type<tc>, window_params = [{transform_indices = @transform_0, window_bounds = array<i64: 256, 4096>}, {transform_indices = @transform_1, window_bounds = array<i64: 1, 1, 256>}, {transform_indices = @transform_2, window_bounds = array<i64: 256, 4096>}]} {
    %get3A = arith.constant 0 : index
    %get3A_0 = arith.constant 0 : index
    %get3A_1 = vector.load %arg1[%get3A, %get3A_0] : memref<256x4096xf32, #tpu.memory_space<vmem>>, vector<256x4096xf32>
    %get3A_2 = arith.constant 0 : index
    %get3A_3 = arith.constant 0 : index
    %get3A_4 = arith.constant 0 : index
    %get3A_5 = vector.load %arg2[%get3A_2, %get3A_3, %get3A_4] : memref<1x1x256xf32, #tpu.memory_space<vmem>>, vector<1x1x256xf32>
    %get3A_6 = vector.shape_cast %get3A_5 : vector<1x1x256xf32> to vector<256xf32>
    %broadcast_in_dim3A = vector.shape_cast %get3A_6 : vector<256xf32> to vector<256x1xf32>
    %ge3A = vector.broadcast %broadcast_in_dim3A : vector<256x1xf32> to vector<256x4096xf32>
    %ge3A_7 = arith.cmpf oge, %get3A_1, %ge3A : vector<256x4096xf32>
    %jit3A = arith.constant 0.000000e+00 : f32
    %broadcast_in_dim3A_8 = vector.broadcast %jit3A : f32 to vector<256x4096xf32>
    %select_n3A = arith.select %ge3A_7, %get3A_1, %broadcast_in_dim3A_8 : vector<256x4096xi1>, vector<256x4096xf32>
    %reduce_sum3A = arith.constant dense<0.000000e+00> : vector<256xf32>
    %reduce_sum3A_9 = vector.multi_reduction <add>, %select_n3A, %reduce_sum3A [1] : vector<256x4096xf32> to vector<256xf32>
    %broadcast_in_dim3A_10 = vector.shape_cast %reduce_sum3A_9 : vector<256xf32> to vector<256x1xf32>
    %add3A = arith.constant 9.99999993E-9 : f32
    %add3A_11 = vector.broadcast %add3A : f32 to vector<256x1xf32>
    %add3A_12 = arith.addf %broadcast_in_dim3A_10, %add3A_11 : vector<256x1xf32>
    %div3A = arith.constant 1.000000e+00 : f32
    %div3A_13 = vector.broadcast %div3A : f32 to vector<256x1xf32>
    %div3A_14 = arith.divf %div3A_13, %add3A_12 : vector<256x1xf32>
    %mul3A = vector.broadcast %div3A_14 : vector<256x1xf32> to vector<256x4096xf32>
    %mul3A_15 = arith.mulf %select_n3A, %mul3A : vector<256x4096xf32>
    %swap3A = arith.constant 0 : index
    %swap3A_16 = arith.constant 0 : index
    %swap3A_17 = vector.load %arg3[%swap3A, %swap3A_16] : memref<256x4096xf32, #tpu.memory_space<vmem>>, vector<256x4096xf32>
    tpu.vector_store %arg3[%swap3A, %swap3A_16], %mul3A_15 {strides = array<i32>} : memref<256x4096xf32, #tpu.memory_space<vmem>>, vector<256x4096xf32>,
    return
  }
  func.func @transform_0(%arg0: i32) -> (i32, i32) {
    %c0_i32 = arith.constant 0 : i32
    %c0_i32_0 = arith.constant 0 : i32
    return %arg0, %c0_i32 : i32, i32
  }
  func.func @transform_1(%arg0: i32) -> (i32, i32, i32) {
    %c0_i32 = arith.constant 0 : i32
    %c0_i32_0 = arith.constant 0 : i32
    %c0_i32_1 = arith.constant 0 : i32
    return %arg0, %c0_i32, %c0_i32_0 : i32, i32, i32
  }
  func.func @transform_2(%arg0: i32) -> (i32, i32) {
    %c0_i32 = arith.constant 0 : i32
    %c0_i32_0 = arith.constant 0 : i32
    return %arg0, %c0_i32 : i32, i32
  }
}

module attributes {stable_mosaic.version = 14 : i64} {
  func.func @_pass_a(%arg0: i32, %arg1: memref<256x4096xf32, #tpu.memory_space<vmem>>, %arg2: memref<4096x256xf32, #tpu.memory_space<vmem>>, %arg3: memref<256x4096xf32, #tpu.memory_space<vmem>>, %arg4: memref<256x1280xf32, #tpu.memory_space<vmem>>) attributes {dimension_semantics = [#tpu.dimension_semantics<arbitrary>], iteration_bounds = array<i64: 16>, scalar_prefetch = 0 : i64, scratch_operands = 0 : i64, tpu.core_type = #tpu.core_type<tc>, window_params = [{transform_indices = @transform_0, window_bounds = array<i64: 256, 4096>}, {transform_indices = @transform_1, window_bounds = array<i64: 4096, 256>}, {transform_indices = @transform_2, window_bounds = array<i64: 256, 4096>}, {transform_indices = @transform_3, window_bounds = array<i64: 256, 1280>}]} {
    %get3A = arith.constant 0 : index
    %get3A_0 = arith.constant 0 : index
    %get3A_1 = vector.load %arg1[%get3A, %get3A_0] : memref<256x4096xf32, #tpu.memory_space<vmem>>, vector<256x4096xf32>
    %get3A_2 = arith.constant 0 : index
    %get3A_3 = arith.constant 0 : index
    %get3A_4 = vector.load %arg2[%get3A_2, %get3A_3] : memref<4096x256xf32, #tpu.memory_space<vmem>>, vector<4096x256xf32>
    %max3A = arith.constant 0.000000e+00 : f32
    %max3A_5 = vector.broadcast %max3A : f32 to vector<256x4096xf32>
    %max3A_6 = arith.maximumf %get3A_1, %max3A_5 : vector<256x4096xf32>
    %max3A_7 = arith.constant 0.000000e+00 : f32
    %max3A_8 = vector.broadcast %max3A_7 : f32 to vector<4096x256xf32>
    %max3A_9 = arith.maximumf %get3A_4, %max3A_8 : vector<4096x256xf32>
    %transpose3A = tpu.transpose %max3A_9, [1, 0] : vector<4096x256xf32> -> vector<256x4096xf32>
    %max3A_10 = arith.maximumf %max3A_6, %transpose3A : vector<256x4096xf32>
    %iota3A = tpu.iota {dimensions = array<i32: 1>} : vector<256x4096xi32>
    %iota3A_11 = tpu.iota {dimensions = array<i32: 0>} : vector<256x4096xi32>
    %mul3A = arith.constant 256 : i32
    %mul3A_12 = arith.muli %arg0, %mul3A : i32
    %add3A = vector.broadcast %mul3A_12 : i32 to vector<256x4096xi32>
    %add3A_13 = arith.addi %iota3A_11, %add3A : vector<256x4096xi32>
    %eq3A = arith.cmpi eq, %iota3A, %add3A_13 : vector<256x4096xi32>
    %add3A_14 = arith.constant 1.000000e+00 : f32
    %add3A_15 = vector.broadcast %add3A_14 : f32 to vector<256x4096xf32>
    %add3A_16 = arith.addf %max3A_10, %add3A_15 : vector<256x4096xf32>
    %select_n3A = arith.select %eq3A, %add3A_16, %max3A_10 : vector<256x4096xi1>, vector<256x4096xf32>
    %swap3A = arith.constant 0 : index
    %swap3A_17 = arith.constant 0 : index
    %swap3A_18 = vector.load %arg3[%swap3A, %swap3A_17] : memref<256x4096xf32, #tpu.memory_space<vmem>>, vector<256x4096xf32>
    tpu.vector_store %arg3[%swap3A, %swap3A_17], %select_n3A {strides = array<i32>} : memref<256x4096xf32, #tpu.memory_space<vmem>>, vector<256x4096xf32>,
    %slice3A = vector.extract_strided_slice %select_n3A {offsets = [0, 0], sizes = [256, 128], strides = [1, 1]} : vector<256x4096xf32> to vector<256x128xf32>
    %slice3A_19 = vector.extract_strided_slice %select_n3A {offsets = [0, 128], sizes = [256, 128], strides = [1, 1]} : vector<256x4096xf32> to vector<256x128xf32>
    %slice3A_20 = vector.extract_strided_slice %select_n3A {offsets = [0, 256], sizes = [256, 128], strides = [1, 1]} : vector<256x4096xf32> to vector<256x128xf32>
    %slice3A_21 = vector.extract_strided_slice %select_n3A {offsets = [0, 384], sizes = [256, 128], strides = [1, 1]} : vector<256x4096xf32> to vector<256x128xf32>
    %slice3A_22 = vector.extract_strided_slice %select_n3A {offsets = [0, 512], sizes = [256, 128], strides = [1, 1]} : vector<256x4096xf32> to vector<256x128xf32>
    %slice3A_23 = vector.extract_strided_slice %select_n3A {offsets = [0, 640], sizes = [256, 128], strides = [1, 1]} : vector<256x4096xf32> to vector<256x128xf32>
    %slice3A_24 = vector.extract_strided_slice %select_n3A {offsets = [0, 768], sizes = [256, 128], strides = [1, 1]} : vector<256x4096xf32> to vector<256x128xf32>
    %slice3A_25 = vector.extract_strided_slice %select_n3A {offsets = [0, 896], sizes = [256, 128], strides = [1, 1]} : vector<256x4096xf32> to vector<256x128xf32>
    %slice3A_26 = vector.extract_strided_slice %select_n3A {offsets = [0, 1024], sizes = [256, 128], strides = [1, 1]} : vector<256x4096xf32> to vector<256x128xf32>
    %slice3A_27 = vector.extract_strided_slice %select_n3A {offsets = [0, 1152], sizes = [256, 128], strides = [1, 1]} : vector<256x4096xf32> to vector<256x128xf32>
    %slice3A_28 = vector.extract_strided_slice %select_n3A {offsets = [0, 1280], sizes = [256, 128], strides = [1, 1]} : vector<256x4096xf32> to vector<256x128xf32>
    %slice3A_29 = vector.extract_strided_slice %select_n3A {offsets = [0, 1408], sizes = [256, 128], strides = [1, 1]} : vector<256x4096xf32> to vector<256x128xf32>
    %slice3A_30 = vector.extract_strided_slice %select_n3A {offsets = [0, 1536], sizes = [256, 128], strides = [1, 1]} : vector<256x4096xf32> to vector<256x128xf32>
    %slice3A_31 = vector.extract_strided_slice %select_n3A {offsets = [0, 1664], sizes = [256, 128], strides = [1, 1]} : vector<256x4096xf32> to vector<256x128xf32>
    %slice3A_32 = vector.extract_strided_slice %select_n3A {offsets = [0, 1792], sizes = [256, 128], strides = [1, 1]} : vector<256x4096xf32> to vector<256x128xf32>
    %slice3A_33 = vector.extract_strided_slice %select_n3A {offsets = [0, 1920], sizes = [256, 128], strides = [1, 1]} : vector<256x4096xf32> to vector<256x128xf32>
    %slice3A_34 = vector.extract_strided_slice %select_n3A {offsets = [0, 2048], sizes = [256, 128], strides = [1, 1]} : vector<256x4096xf32> to vector<256x128xf32>
    %slice3A_35 = vector.extract_strided_slice %select_n3A {offsets = [0, 2176], sizes = [256, 128], strides = [1, 1]} : vector<256x4096xf32> to vector<256x128xf32>
    %slice3A_36 = vector.extract_strided_slice %select_n3A {offsets = [0, 2304], sizes = [256, 128], strides = [1, 1]} : vector<256x4096xf32> to vector<256x128xf32>
    %slice3A_37 = vector.extract_strided_slice %select_n3A {offsets = [0, 2432], sizes = [256, 128], strides = [1, 1]} : vector<256x4096xf32> to vector<256x128xf32>
    %slice3A_38 = vector.extract_strided_slice %select_n3A {offsets = [0, 2560], sizes = [256, 128], strides = [1, 1]} : vector<256x4096xf32> to vector<256x128xf32>
    %slice3A_39 = vector.extract_strided_slice %select_n3A {offsets = [0, 2688], sizes = [256, 128], strides = [1, 1]} : vector<256x4096xf32> to vector<256x128xf32>
    %slice3A_40 = vector.extract_strided_slice %select_n3A {offsets = [0, 2816], sizes = [256, 128], strides = [1, 1]} : vector<256x4096xf32> to vector<256x128xf32>
    %slice3A_41 = vector.extract_strided_slice %select_n3A {offsets = [0, 2944], sizes = [256, 128], strides = [1, 1]} : vector<256x4096xf32> to vector<256x128xf32>
    %slice3A_42 = vector.extract_strided_slice %select_n3A {offsets = [0, 3072], sizes = [256, 128], strides = [1, 1]} : vector<256x4096xf32> to vector<256x128xf32>
    %slice3A_43 = vector.extract_strided_slice %select_n3A {offsets = [0, 3200], sizes = [256, 128], strides = [1, 1]} : vector<256x4096xf32> to vector<256x128xf32>
    %slice3A_44 = vector.extract_strided_slice %select_n3A {offsets = [0, 3328], sizes = [256, 128], strides = [1, 1]} : vector<256x4096xf32> to vector<256x128xf32>
    %slice3A_45 = vector.extract_strided_slice %select_n3A {offsets = [0, 3456], sizes = [256, 128], strides = [1, 1]} : vector<256x4096xf32> to vector<256x128xf32>
    %slice3A_46 = vector.extract_strided_slice %select_n3A {offsets = [0, 3584], sizes = [256, 128], strides = [1, 1]} : vector<256x4096xf32> to vector<256x128xf32>
    %slice3A_47 = vector.extract_strided_slice %select_n3A {offsets = [0, 3712], sizes = [256, 128], strides = [1, 1]} : vector<256x4096xf32> to vector<256x128xf32>
    %slice3A_48 = vector.extract_strided_slice %select_n3A {offsets = [0, 3840], sizes = [256, 128], strides = [1, 1]} : vector<256x4096xf32> to vector<256x128xf32>
    %slice3A_49 = vector.extract_strided_slice %select_n3A {offsets = [0, 3968], sizes = [256, 128], strides = [1, 1]} : vector<256x4096xf32> to vector<256x128xf32>
    %max3A_50 = arith.maximumf %slice3A, %slice3A_19 : vector<256x128xf32>
    %min3A = arith.minimumf %slice3A, %slice3A_19 : vector<256x128xf32>
    %max3A_51 = arith.maximumf %slice3A_20, %slice3A_21 : vector<256x128xf32>
    %min3A_52 = arith.minimumf %slice3A_20, %slice3A_21 : vector<256x128xf32>
    %max3A_53 = arith.maximumf %slice3A_22, %slice3A_23 : vector<256x128xf32>
    %min3A_54 = arith.minimumf %slice3A_22, %slice3A_23 : vector<256x128xf32>
    %max3A_55 = arith.maximumf %slice3A_24, %slice3A_25 : vector<256x128xf32>
    %min3A_56 = arith.minimumf %slice3A_24, %slice3A_25 : vector<256x128xf32>
    %max3A_57 = arith.maximumf %slice3A_26, %slice3A_27 : vector<256x128xf32>
    %min3A_58 = arith.minimumf %slice3A_26, %slice3A_27 : vector<256x128xf32>
    %max3A_59 = arith.maximumf %slice3A_28, %slice3A_29 : vector<256x128xf32>
    %min3A_60 = arith.minimumf %slice3A_28, %slice3A_29 : vector<256x128xf32>
    %max3A_61 = arith.maximumf %slice3A_30, %slice3A_31 : vector<256x128xf32>
    %min3A_62 = arith.minimumf %slice3A_30, %slice3A_31 : vector<256x128xf32>
    %max3A_63 = arith.maximumf %slice3A_32, %slice3A_33 : vector<256x128xf32>
    %min3A_64 = arith.minimumf %slice3A_32, %slice3A_33 : vector<256x128xf32>
    %max3A_65 = arith.maximumf %max3A_50, %min3A_52 : vector<256x128xf32>
    %min3A_66 = arith.minimumf %max3A_50, %min3A_52 : vector<256x128xf32>
    %max3A_67 = arith.maximumf %min3A, %max3A_51 : vector<256x128xf32>
    %min3A_68 = arith.minimumf %min3A, %max3A_51 : vector<256x128xf32>
    %max3A_69 = arith.maximumf %max3A_53, %min3A_56 : vector<256x128xf32>
    %min3A_70 = arith.minimumf %max3A_53, %min3A_56 : vector<256x128xf32>
    %max3A_71 = arith.maximumf %min3A_54, %max3A_55 : vector<256x128xf32>
    %min3A_72 = arith.minimumf %min3A_54, %max3A_55 : vector<256x128xf32>
    %max3A_73 = arith.maximumf %max3A_57, %min3A_60 : vector<256x128xf32>
    %min3A_74 = arith.minimumf %max3A_57, %min3A_60 : vector<256x128xf32>
    %max3A_75 = arith.maximumf %min3A_58, %max3A_59 : vector<256x128xf32>
    %min3A_76 = arith.minimumf %min3A_58, %max3A_59 : vector<256x128xf32>
    %max3A_77 = arith.maximumf %max3A_61, %min3A_64 : vector<256x128xf32>
    %min3A_78 = arith.minimumf %max3A_61, %min3A_64 : vector<256x128xf32>
    %max3A_79 = arith.maximumf %min3A_62, %max3A_63 : vector<256x128xf32>
    %min3A_80 = arith.minimumf %min3A_62, %max3A_63 : vector<256x128xf32>
    %max3A_81 = arith.maximumf %max3A_65, %max3A_67 : vector<256x128xf32>
    %min3A_82 = arith.minimumf %max3A_65, %max3A_67 : vector<256x128xf32>
    %max3A_83 = arith.maximumf %min3A_66, %min3A_68 : vector<256x128xf32>
    %min3A_84 = arith.minimumf %min3A_66, %min3A_68 : vector<256x128xf32>
    %max3A_85 = arith.maximumf %min3A_70, %min3A_72 : vector<256x128xf32>
    %min3A_86 = arith.minimumf %min3A_70, %min3A_72 : vector<256x128xf32>
    %max3A_87 = arith.maximumf %max3A_69, %max3A_71 : vector<256x128xf32>
    %min3A_88 = arith.minimumf %max3A_69, %max3A_71 : vector<256x128xf32>
    %max3A_89 = arith.maximumf %max3A_73, %max3A_75 : vector<256x128xf32>
    %min3A_90 = arith.minimumf %max3A_73, %max3A_75 : vector<256x128xf32>
    %max3A_91 = arith.maximumf %min3A_74, %min3A_76 : vector<256x128xf32>
    %min3A_92 = arith.minimumf %min3A_74, %min3A_76 : vector<256x128xf32>
    %max3A_93 = arith.maximumf %min3A_78, %min3A_80 : vector<256x128xf32>
    %min3A_94 = arith.minimumf %min3A_78, %min3A_80 : vector<256x128xf32>
    %max3A_95 = arith.maximumf %max3A_77, %max3A_79 : vector<256x128xf32>
    %min3A_96 = arith.minimumf %max3A_77, %max3A_79 : vector<256x128xf32>
    %max3A_97 = arith.maximumf %max3A_81, %min3A_86 : vector<256x128xf32>
    %min3A_98 = arith.minimumf %max3A_81, %min3A_86 : vector<256x128xf32>
    %max3A_99 = arith.maximumf %min3A_82, %max3A_85 : vector<256x128xf32>
    %min3A_100 = arith.minimumf %min3A_82, %max3A_85 : vector<256x128xf32>
    %max3A_101 = arith.maximumf %max3A_83, %min3A_88 : vector<256x128xf32>
    %min3A_102 = arith.minimumf %max3A_83, %min3A_88 : vector<256x128xf32>
    %max3A_103 = arith.maximumf %min3A_84, %max3A_87 : vector<256x128xf32>
    %min3A_104 = arith.minimumf %min3A_84, %max3A_87 : vector<256x128xf32>
    %max3A_105 = arith.maximumf %max3A_89, %min3A_94 : vector<256x128xf32>
    %min3A_106 = arith.minimumf %max3A_89, %min3A_94 : vector<256x128xf32>
    %max3A_107 = arith.maximumf %min3A_90, %max3A_93 : vector<256x128xf32>
    %min3A_108 = arith.minimumf %min3A_90, %max3A_93 : vector<256x128xf32>
    %max3A_109 = arith.maximumf %max3A_91, %min3A_96 : vector<256x128xf32>
    %min3A_110 = arith.minimumf %max3A_91, %min3A_96 : vector<256x128xf32>
    %max3A_111 = arith.maximumf %min3A_92, %max3A_95 : vector<256x128xf32>
    %min3A_112 = arith.minimumf %min3A_92, %max3A_95 : vector<256x128xf32>
    %max3A_113 = arith.maximumf %max3A_97, %max3A_101 : vector<256x128xf32>
    %min3A_114 = arith.minimumf %max3A_97, %max3A_101 : vector<256x128xf32>
    %max3A_115 = arith.maximumf %max3A_99, %max3A_103 : vector<256x128xf32>
    %min3A_116 = arith.minimumf %max3A_99, %max3A_103 : vector<256x128xf32>
    %max3A_117 = arith.maximumf %min3A_98, %min3A_102 : vector<256x128xf32>
    %min3A_118 = arith.minimumf %min3A_98, %min3A_102 : vector<256x128xf32>
    %max3A_119 = arith.maximumf %min3A_100, %min3A_104 : vector<256x128xf32>
    %min3A_120 = arith.minimumf %min3A_100, %min3A_104 : vector<256x128xf32>
    %max3A_121 = arith.maximumf %min3A_106, %min3A_110 : vector<256x128xf32>
    %min3A_122 = arith.minimumf %min3A_106, %min3A_110 : vector<256x128xf32>
    %max3A_123 = arith.maximumf %min3A_108, %min3A_112 : vector<256x128xf32>
    %min3A_124 = arith.minimumf %min3A_108, %min3A_112 : vector<256x128xf32>
    %max3A_125 = arith.maximumf %max3A_105, %max3A_109 : vector<256x128xf32>
    %min3A_126 = arith.minimumf %max3A_105, %max3A_109 : vector<256x128xf32>
    %max3A_127 = arith.maximumf %max3A_107, %max3A_111 : vector<256x128xf32>
    %min3A_128 = arith.minimumf %max3A_107, %max3A_111 : vector<256x128xf32>
    %max3A_129 = arith.maximumf %max3A_113, %max3A_115 : vector<256x128xf32>
    %min3A_130 = arith.minimumf %max3A_113, %max3A_115 : vector<256x128xf32>
    %max3A_131 = arith.maximumf %min3A_114, %min3A_116 : vector<256x128xf32>
    %min3A_132 = arith.minimumf %min3A_114, %min3A_116 : vector<256x128xf32>
    %max3A_133 = arith.maximumf %max3A_117, %max3A_119 : vector<256x128xf32>
    %min3A_134 = arith.minimumf %max3A_117, %max3A_119 : vector<256x128xf32>
    %max3A_135 = arith.maximumf %min3A_118, %min3A_120 : vector<256x128xf32>
    %min3A_136 = arith.minimumf %min3A_118, %min3A_120 : vector<256x128xf32>
    %max3A_137 = arith.maximumf %min3A_122, %min3A_124 : vector<256x128xf32>
    %min3A_138 = arith.minimumf %min3A_122, %min3A_124 : vector<256x128xf32>
    %max3A_139 = arith.maximumf %max3A_121, %max3A_123 : vector<256x128xf32>
    %min3A_140 = arith.minimumf %max3A_121, %max3A_123 : vector<256x128xf32>
    %max3A_141 = arith.maximumf %min3A_126, %min3A_128 : vector<256x128xf32>
    %min3A_142 = arith.minimumf %min3A_126, %min3A_128 : vector<256x128xf32>
    %max3A_143 = arith.maximumf %max3A_125, %max3A_127 : vector<256x128xf32>
    %min3A_144 = arith.minimumf %max3A_125, %max3A_127 : vector<256x128xf32>
    %max3A_145 = arith.maximumf %max3A_129, %min3A_138 : vector<256x128xf32>
    %min3A_146 = arith.minimumf %max3A_129, %min3A_138 : vector<256x128xf32>
    %max3A_147 = arith.maximumf %min3A_130, %max3A_137 : vector<256x128xf32>
    %min3A_148 = arith.minimumf %min3A_130, %max3A_137 : vector<256x128xf32>
    %max3A_149 = arith.maximumf %max3A_131, %min3A_140 : vector<256x128xf32>
    %min3A_150 = arith.minimumf %max3A_131, %min3A_140 : vector<256x128xf32>
    %max3A_151 = arith.maximumf %min3A_132, %max3A_139 : vector<256x128xf32>
    %min3A_152 = arith.minimumf %min3A_132, %max3A_139 : vector<256x128xf32>
    %max3A_153 = arith.maximumf %max3A_133, %min3A_142 : vector<256x128xf32>
    %min3A_154 = arith.minimumf %max3A_133, %min3A_142 : vector<256x128xf32>
    %max3A_155 = arith.maximumf %min3A_134, %max3A_141 : vector<256x128xf32>
    %min3A_156 = arith.minimumf %min3A_134, %max3A_141 : vector<256x128xf32>
    %max3A_157 = arith.maximumf %max3A_135, %min3A_144 : vector<256x128xf32>
    %min3A_158 = arith.minimumf %max3A_135, %min3A_144 : vector<256x128xf32>
    %max3A_159 = arith.maximumf %min3A_136, %max3A_143 : vector<256x128xf32>
    %min3A_160 = arith.minimumf %min3A_136, %max3A_143 : vector<256x128xf32>
    %max3A_161 = arith.maximumf %max3A_145, %max3A_153 : vector<256x128xf32>
    %min3A_162 = arith.minimumf %max3A_145, %max3A_153 : vector<256x128xf32>
    %max3A_163 = arith.maximumf %max3A_147, %max3A_155 : vector<256x128xf32>
    %min3A_164 = arith.minimumf %max3A_147, %max3A_155 : vector<256x128xf32>
    %max3A_165 = arith.maximumf %max3A_149, %max3A_157 : vector<256x128xf32>
    %min3A_166 = arith.minimumf %max3A_149, %max3A_157 : vector<256x128xf32>
    %max3A_167 = arith.maximumf %max3A_151, %max3A_159 : vector<256x128xf32>
    %min3A_168 = arith.minimumf %max3A_151, %max3A_159 : vector<256x128xf32>
    %max3A_169 = arith.maximumf %min3A_146, %min3A_154 : vector<256x128xf32>
    %max3A_170 = arith.maximumf %min3A_148, %min3A_156 : vector<256x128xf32>
    %max3A_171 = arith.maximumf %min3A_150, %min3A_158 : vector<256x128xf32>
    %max3A_172 = arith.maximumf %min3A_152, %min3A_160 : vector<256x128xf32>
    %max3A_173 = arith.maximumf %max3A_161, %max3A_165 : vector<256x128xf32>
    %min3A_174 = arith.minimumf %max3A_161, %max3A_165 : vector<256x128xf32>
    %max3A_175 = arith.maximumf %max3A_163, %max3A_167 : vector<256x128xf32>
    %min3A_176 = arith.minimumf %max3A_163, %max3A_167 : vector<256x128xf32>
    %max3A_177 = arith.maximumf %min3A_162, %min3A_166 : vector<256x128xf32>
    %min3A_178 = arith.minimumf %min3A_162, %min3A_166 : vector<256x128xf32>
    %max3A_179 = arith.maximumf %min3A_164, %min3A_168 : vector<256x128xf32>
    %min3A_180 = arith.minimumf %min3A_164, %min3A_168 : vector<256x128xf32>
    %max3A_181 = arith.maximumf %max3A_169, %max3A_171 : vector<256x128xf32>
    %max3A_182 = arith.maximumf %max3A_170, %max3A_172 : vector<256x128xf32>
    %max3A_183 = arith.maximumf %max3A_173, %max3A_175 : vector<256x128xf32>
    %min3A_184 = arith.minimumf %max3A_173, %max3A_175 : vector<256x128xf32>
    %max3A_185 = arith.maximumf %min3A_174, %min3A_176 : vector<256x128xf32>
    %min3A_186 = arith.minimumf %min3A_174, %min3A_176 : vector<256x128xf32>
    %max3A_187 = arith.maximumf %max3A_177, %max3A_179 : vector<256x128xf32>
    %min3A_188 = arith.minimumf %max3A_177, %max3A_179 : vector<256x128xf32>
    %max3A_189 = arith.maximumf %min3A_178, %min3A_180 : vector<256x128xf32>
    %min3A_190 = arith.minimumf %min3A_178, %min3A_180 : vector<256x128xf32>
    %max3A_191 = arith.maximumf %max3A_181, %max3A_182 : vector<256x128xf32>
    %min3A_192 = arith.minimumf %max3A_181, %max3A_182 : vector<256x128xf32>
    %max3A_193 = arith.maximumf %slice3A_34, %slice3A_35 : vector<256x128xf32>
    %min3A_194 = arith.minimumf %slice3A_34, %slice3A_35 : vector<256x128xf32>
    %max3A_195 = arith.maximumf %slice3A_36, %slice3A_37 : vector<256x128xf32>
    %min3A_196 = arith.minimumf %slice3A_36, %slice3A_37 : vector<256x128xf32>
    %max3A_197 = arith.maximumf %slice3A_38, %slice3A_39 : vector<256x128xf32>
    %min3A_198 = arith.minimumf %slice3A_38, %slice3A_39 : vector<256x128xf32>
    %max3A_199 = arith.maximumf %slice3A_40, %slice3A_41 : vector<256x128xf32>
    %min3A_200 = arith.minimumf %slice3A_40, %slice3A_41 : vector<256x128xf32>
    %max3A_201 = arith.maximumf %slice3A_42, %slice3A_43 : vector<256x128xf32>
    %min3A_202 = arith.minimumf %slice3A_42, %slice3A_43 : vector<256x128xf32>
    %max3A_203 = arith.maximumf %slice3A_44, %slice3A_45 : vector<256x128xf32>
    %min3A_204 = arith.minimumf %slice3A_44, %slice3A_45 : vector<256x128xf32>
    %max3A_205 = arith.maximumf %slice3A_46, %slice3A_47 : vector<256x128xf32>
    %min3A_206 = arith.minimumf %slice3A_46, %slice3A_47 : vector<256x128xf32>
    %max3A_207 = arith.maximumf %slice3A_48, %slice3A_49 : vector<256x128xf32>
    %min3A_208 = arith.minimumf %slice3A_48, %slice3A_49 : vector<256x128xf32>
    %max3A_209 = arith.maximumf %max3A_193, %min3A_196 : vector<256x128xf32>
    %min3A_210 = arith.minimumf %max3A_193, %min3A_196 : vector<256x128xf32>
    %max3A_211 = arith.maximumf %min3A_194, %max3A_195 : vector<256x128xf32>
    %min3A_212 = arith.minimumf %min3A_194, %max3A_195 : vector<256x128xf32>
    %max3A_213 = arith.maximumf %max3A_197, %min3A_200 : vector<256x128xf32>
    %min3A_214 = arith.minimumf %max3A_197, %min3A_200 : vector<256x128xf32>
    %max3A_215 = arith.maximumf %min3A_198, %max3A_199 : vector<256x128xf32>
    %min3A_216 = arith.minimumf %min3A_198, %max3A_199 : vector<256x128xf32>
    %max3A_217 = arith.maximumf %max3A_201, %min3A_204 : vector<256x128xf32>
    %min3A_218 = arith.minimumf %max3A_201, %min3A_204 : vector<256x128xf32>
    %max3A_219 = arith.maximumf %min3A_202, %max3A_203 : vector<256x128xf32>
    %min3A_220 = arith.minimumf %min3A_202, %max3A_203 : vector<256x128xf32>
    %max3A_221 = arith.maximumf %max3A_205, %min3A_208 : vector<256x128xf32>
    %min3A_222 = arith.minimumf %max3A_205, %min3A_208 : vector<256x128xf32>
    %max3A_223 = arith.maximumf %min3A_206, %max3A_207 : vector<256x128xf32>
    %min3A_224 = arith.minimumf %min3A_206, %max3A_207 : vector<256x128xf32>
    %max3A_225 = arith.maximumf %max3A_209, %max3A_211 : vector<256x128xf32>
    %min3A_226 = arith.minimumf %max3A_209, %max3A_211 : vector<256x128xf32>
    %max3A_227 = arith.maximumf %min3A_210, %min3A_212 : vector<256x128xf32>
    %min3A_228 = arith.minimumf %min3A_210, %min3A_212 : vector<256x128xf32>
    %max3A_229 = arith.maximumf %min3A_214, %min3A_216 : vector<256x128xf32>
    %min3A_230 = arith.minimumf %min3A_214, %min3A_216 : vector<256x128xf32>
    %max3A_231 = arith.maximumf %max3A_213, %max3A_215 : vector<256x128xf32>
    %min3A_232 = arith.minimumf %max3A_213, %max3A_215 : vector<256x128xf32>
    %max3A_233 = arith.maximumf %max3A_217, %max3A_219 : vector<256x128xf32>
    %min3A_234 = arith.minimumf %max3A_217, %max3A_219 : vector<256x128xf32>
    %max3A_235 = arith.maximumf %min3A_218, %min3A_220 : vector<256x128xf32>
    %min3A_236 = arith.minimumf %min3A_218, %min3A_220 : vector<256x128xf32>
    %max3A_237 = arith.maximumf %min3A_222, %min3A_224 : vector<256x128xf32>
    %min3A_238 = arith.minimumf %min3A_222, %min3A_224 : vector<256x128xf32>
    %max3A_239 = arith.maximumf %max3A_221, %max3A_223 : vector<256x128xf32>
    %min3A_240 = arith.minimumf %max3A_221, %max3A_223 : vector<256x128xf32>
    %max3A_241 = arith.maximumf %max3A_225, %min3A_230 : vector<256x128xf32>
    %min3A_242 = arith.minimumf %max3A_225, %min3A_230 : vector<256x128xf32>
    %max3A_243 = arith.maximumf %min3A_226, %max3A_229 : vector<256x128xf32>
    %min3A_244 = arith.minimumf %min3A_226, %max3A_229 : vector<256x128xf32>
    %max3A_245 = arith.maximumf %max3A_227, %min3A_232 : vector<256x128xf32>
    %min3A_246 = arith.minimumf %max3A_227, %min3A_232 : vector<256x128xf32>
    %max3A_247 = arith.maximumf %min3A_228, %max3A_231 : vector<256x128xf32>
    %min3A_248 = arith.minimumf %min3A_228, %max3A_231 : vector<256x128xf32>
    %max3A_249 = arith.maximumf %max3A_233, %min3A_238 : vector<256x128xf32>
    %min3A_250 = arith.minimumf %max3A_233, %min3A_238 : vector<256x128xf32>
    %max3A_251 = arith.maximumf %min3A_234, %max3A_237 : vector<256x128xf32>
    %min3A_252 = arith.minimumf %min3A_234, %max3A_237 : vector<256x128xf32>
    %max3A_253 = arith.maximumf %max3A_235, %min3A_240 : vector<256x128xf32>
    %min3A_254 = arith.minimumf %max3A_235, %min3A_240 : vector<256x128xf32>
    %max3A_255 = arith.maximumf %min3A_236, %max3A_239 : vector<256x128xf32>
    %min3A_256 = arith.minimumf %min3A_236, %max3A_239 : vector<256x128xf32>
    %max3A_257 = arith.maximumf %max3A_241, %max3A_245 : vector<256x128xf32>
    %min3A_258 = arith.minimumf %max3A_241, %max3A_245 : vector<256x128xf32>
    %max3A_259 = arith.maximumf %max3A_243, %max3A_247 : vector<256x128xf32>
    %min3A_260 = arith.minimumf %max3A_243, %max3A_247 : vector<256x128xf32>
    %max3A_261 = arith.maximumf %min3A_242, %min3A_246 : vector<256x128xf32>
    %min3A_262 = arith.minimumf %min3A_242, %min3A_246 : vector<256x128xf32>
    %max3A_263 = arith.maximumf %min3A_244, %min3A_248 : vector<256x128xf32>
    %min3A_264 = arith.minimumf %min3A_244, %min3A_248 : vector<256x128xf32>
    %max3A_265 = arith.maximumf %min3A_250, %min3A_254 : vector<256x128xf32>
    %min3A_266 = arith.minimumf %min3A_250, %min3A_254 : vector<256x128xf32>
    %max3A_267 = arith.maximumf %min3A_252, %min3A_256 : vector<256x128xf32>
    %min3A_268 = arith.minimumf %min3A_252, %min3A_256 : vector<256x128xf32>
    %max3A_269 = arith.maximumf %max3A_249, %max3A_253 : vector<256x128xf32>
    %min3A_270 = arith.minimumf %max3A_249, %max3A_253 : vector<256x128xf32>
    %max3A_271 = arith.maximumf %max3A_251, %max3A_255 : vector<256x128xf32>
    %min3A_272 = arith.minimumf %max3A_251, %max3A_255 : vector<256x128xf32>
    %max3A_273 = arith.maximumf %max3A_257, %max3A_259 : vector<256x128xf32>
    %min3A_274 = arith.minimumf %max3A_257, %max3A_259 : vector<256x128xf32>
    %max3A_275 = arith.maximumf %min3A_258, %min3A_260 : vector<256x128xf32>
    %min3A_276 = arith.minimumf %min3A_258, %min3A_260 : vector<256x128xf32>
    %max3A_277 = arith.maximumf %max3A_261, %max3A_263 : vector<256x128xf32>
    %min3A_278 = arith.minimumf %max3A_261, %max3A_263 : vector<256x128xf32>
    %max3A_279 = arith.maximumf %min3A_262, %min3A_264 : vector<256x128xf32>
    %min3A_280 = arith.minimumf %min3A_262, %min3A_264 : vector<256x128xf32>
    %max3A_281 = arith.maximumf %min3A_266, %min3A_268 : vector<256x128xf32>
    %min3A_282 = arith.minimumf %min3A_266, %min3A_268 : vector<256x128xf32>
    %max3A_283 = arith.maximumf %max3A_265, %max3A_267 : vector<256x128xf32>
    %min3A_284 = arith.minimumf %max3A_265, %max3A_267 : vector<256x128xf32>
    %max3A_285 = arith.maximumf %min3A_270, %min3A_272 : vector<256x128xf32>
    %min3A_286 = arith.minimumf %min3A_270, %min3A_272 : vector<256x128xf32>
    %max3A_287 = arith.maximumf %max3A_269, %max3A_271 : vector<256x128xf32>
    %min3A_288 = arith.minimumf %max3A_269, %max3A_271 : vector<256x128xf32>
    %max3A_289 = arith.maximumf %max3A_273, %min3A_282 : vector<256x128xf32>
    %min3A_290 = arith.minimumf %max3A_273, %min3A_282 : vector<256x128xf32>
    %max3A_291 = arith.maximumf %min3A_274, %max3A_281 : vector<256x128xf32>
    %min3A_292 = arith.minimumf %min3A_274, %max3A_281 : vector<256x128xf32>
    %max3A_293 = arith.maximumf %max3A_275, %min3A_284 : vector<256x128xf32>
    %min3A_294 = arith.minimumf %max3A_275, %min3A_284 : vector<256x128xf32>
    %max3A_295 = arith.maximumf %min3A_276, %max3A_283 : vector<256x128xf32>
    %min3A_296 = arith.minimumf %min3A_276, %max3A_283 : vector<256x128xf32>
    %max3A_297 = arith.maximumf %max3A_277, %min3A_286 : vector<256x128xf32>
    %min3A_298 = arith.minimumf %max3A_277, %min3A_286 : vector<256x128xf32>
    %max3A_299 = arith.maximumf %min3A_278, %max3A_285 : vector<256x128xf32>
    %min3A_300 = arith.minimumf %min3A_278, %max3A_285 : vector<256x128xf32>
    %max3A_301 = arith.maximumf %max3A_279, %min3A_288 : vector<256x128xf32>
    %min3A_302 = arith.minimumf %max3A_279, %min3A_288 : vector<256x128xf32>
    %max3A_303 = arith.maximumf %min3A_280, %max3A_287 : vector<256x128xf32>
    %min3A_304 = arith.minimumf %min3A_280, %max3A_287 : vector<256x128xf32>
    %max3A_305 = arith.maximumf %max3A_289, %max3A_297 : vector<256x128xf32>
    %min3A_306 = arith.minimumf %max3A_289, %max3A_297 : vector<256x128xf32>
    %max3A_307 = arith.maximumf %max3A_291, %max3A_299 : vector<256x128xf32>
    %min3A_308 = arith.minimumf %max3A_291, %max3A_299 : vector<256x128xf32>
    %max3A_309 = arith.maximumf %max3A_293, %max3A_301 : vector<256x128xf32>
    %min3A_310 = arith.minimumf %max3A_293, %max3A_301 : vector<256x128xf32>
    %max3A_311 = arith.maximumf %max3A_295, %max3A_303 : vector<256x128xf32>
    %min3A_312 = arith.minimumf %max3A_295, %max3A_303 : vector<256x128xf32>
    %max3A_313 = arith.maximumf %min3A_290, %min3A_298 : vector<256x128xf32>
    %max3A_314 = arith.maximumf %min3A_292, %min3A_300 : vector<256x128xf32>
    %max3A_315 = arith.maximumf %min3A_294, %min3A_302 : vector<256x128xf32>
    %max3A_316 = arith.maximumf %min3A_296, %min3A_304 : vector<256x128xf32>
    %max3A_317 = arith.maximumf %max3A_305, %max3A_309 : vector<256x128xf32>
    %min3A_318 = arith.minimumf %max3A_305, %max3A_309 : vector<256x128xf32>
    %max3A_319 = arith.maximumf %max3A_307, %max3A_311 : vector<256x128xf32>
    %min3A_320 = arith.minimumf %max3A_307, %max3A_311 : vector<256x128xf32>
    %max3A_321 = arith.maximumf %min3A_306, %min3A_310 : vector<256x128xf32>
    %min3A_322 = arith.minimumf %min3A_306, %min3A_310 : vector<256x128xf32>
    %max3A_323 = arith.maximumf %min3A_308, %min3A_312 : vector<256x128xf32>
    %min3A_324 = arith.minimumf %min3A_308, %min3A_312 : vector<256x128xf32>
    %max3A_325 = arith.maximumf %max3A_313, %max3A_315 : vector<256x128xf32>
    %max3A_326 = arith.maximumf %max3A_314, %max3A_316 : vector<256x128xf32>
    %max3A_327 = arith.maximumf %max3A_317, %max3A_319 : vector<256x128xf32>
    %min3A_328 = arith.minimumf %max3A_317, %max3A_319 : vector<256x128xf32>
    %max3A_329 = arith.maximumf %min3A_318, %min3A_320 : vector<256x128xf32>
    %min3A_330 = arith.minimumf %min3A_318, %min3A_320 : vector<256x128xf32>
    %max3A_331 = arith.maximumf %max3A_321, %max3A_323 : vector<256x128xf32>
    %min3A_332 = arith.minimumf %max3A_321, %max3A_323 : vector<256x128xf32>
    %max3A_333 = arith.maximumf %min3A_322, %min3A_324 : vector<256x128xf32>
    %min3A_334 = arith.minimumf %min3A_322, %min3A_324 : vector<256x128xf32>
    %max3A_335 = arith.maximumf %max3A_325, %max3A_326 : vector<256x128xf32>
    %min3A_336 = arith.minimumf %max3A_325, %max3A_326 : vector<256x128xf32>
    %max3A_337 = arith.maximumf %max3A_183, %min3A_336 : vector<256x128xf32>
    %max3A_338 = arith.maximumf %min3A_184, %max3A_335 : vector<256x128xf32>
    %max3A_339 = arith.maximumf %max3A_185, %min3A_334 : vector<256x128xf32>
    %max3A_340 = arith.maximumf %min3A_186, %max3A_333 : vector<256x128xf32>
    %max3A_341 = arith.maximumf %max3A_187, %min3A_332 : vector<256x128xf32>
    %max3A_342 = arith.maximumf %min3A_188, %max3A_331 : vector<256x128xf32>
    %max3A_343 = arith.maximumf %max3A_189, %min3A_330 : vector<256x128xf32>
    %max3A_344 = arith.maximumf %min3A_190, %max3A_329 : vector<256x128xf32>
    %max3A_345 = arith.maximumf %max3A_191, %min3A_328 : vector<256x128xf32>
    %max3A_346 = arith.maximumf %min3A_192, %max3A_327 : vector<256x128xf32>
    %concatenate3A = tpu.concatenate %max3A_337, %max3A_338, %max3A_339, %max3A_340, %max3A_341, %max3A_342, %max3A_343, %max3A_344, %max3A_345, %max3A_346 in 1 : vector<256x128xf32>, vector<256x128xf32>, vector<256x128xf32>, vector<256x128xf32>, vector<256x128xf32>, vector<256x128xf32>, vector<256x128xf32>, vector<256x128xf32>, vector<256x128xf32>, vector<256x128xf32> -> vector<256x1280xf32>
    %swap3A_347 = arith.constant 0 : index
    %swap3A_348 = arith.constant 0 : index
    %swap3A_349 = vector.load %arg4[%swap3A_347, %swap3A_348] : memref<256x1280xf32, #tpu.memory_space<vmem>>, vector<256x1280xf32>
    tpu.vector_store %arg4[%swap3A_347, %swap3A_348], %concatenate3A {strides = array<i32>} : memref<256x1280xf32, #tpu.memory_space<vmem>>, vector<256x1280xf32>,
    return
  }
  func.func @transform_0(%arg0: i32) -> (i32, i32) {
    %c0_i32 = arith.constant 0 : i32
    %c0_i32_0 = arith.constant 0 : i32
    return %arg0, %c0_i32 : i32, i32
  }
  func.func @transform_1(%arg0: i32) -> (i32, i32) {
    %c0_i32 = arith.constant 0 : i32
    %c0_i32_0 = arith.constant 0 : i32
    return %c0_i32, %arg0 : i32, i32
  }
  func.func @transform_2(%arg0: i32) -> (i32, i32) {
    %c0_i32 = arith.constant 0 : i32
    %c0_i32_0 = arith.constant 0 : i32
    return %arg0, %c0_i32 : i32, i32
  }
  func.func @transform_3(%arg0: i32) -> (i32, i32) {
    %c0_i32 = arith.constant 0 : i32
    %c0_i32_0 = arith.constant 0 : i32
    return %arg0, %c0_i32 : i32, i32
  }
}

</mosaic_0001>

<sc_bundles>
// kernel: kernel.5.cloned.1.call-start
scs
__scs_entry_jumppad:
0x0: {  	(pc) =	sbr.rel $0x88, $3  }
0x1: {  	(tag) =	ssettag $0x0;
	lr =	simm.s32 $0x1  }
0x2: {  	[smem:$0x3FA0] =	sst lr;
	_ =	strace $0xD0000000  }
0x3: {  	_ = 	snop  }
0x4: {  	_ = 	snop  }
0x5: {  	_ = 	snop  }
0x6: {  	_ = 	snop  }
0x7: {  	_ = 	snop  }
__scs_overlays_trampoline_lowered:
0x8: {  	[smem:$0x3FAF] =	sst s0  }
0x9: {  	[smem:$0x3FB0] =	sst s1  }
0xa: {  	[smem:$0x3FB1] =	sst s2  }
0xb: {  	[smem:$0x3FB2] =	sst s3  }
0xc: {  	[smem:$0x3FB3] =	sst s4  }
0xd: {  	[smem:$0x3FB4] =	sst s5  }
0xe: {  	[smem:$0x3FB5] =	sst s6  }
0xf: {  	[smem:$0x3FB6] =	sst s7  }
0x10: {  	[smem:$0x3FB7] =	sst s8  }
0x11: {  	[smem:$0x3FB8] =	sst s9;
	s0 =	simm.s32 @!p0 $0x0  }
0x12: {  	s1 =	sld [smem:$0x3F9E];
	s0 =	simm.s32 @p0 $0x1  }
0x13: {  	[smem:$0x3FB9] =	sst s0;
	s0 =	simm.s32 @!p1 $0x0  }
0x14: {  	s2 =	sld [smem:$0x3F9D];
	s0 =	simm.s32 @p1 $0x1  }
0x15: {  	[smem:$0x3FBA] =	sst s0;
	s0 =	simm.s32 @!p2 $0x0  }
0x16: {  	s3 =	sld [smem:$0x3FDB];
	s0 =	simm.s32 @p2 $0x1  }
0x17: {  	s4 =	simm.s32 $0x1BF5;
	[smem:$0x3FBC] =	sst s0  }
0x18: {  	s0 =	sld [smem:$0x3F9F];
	_ =	swait.ge [sflag:s4], $0x0  }
0x19: {  	s7 =	sld [smem:$0x3FA0]  }
0x1a: {  	s8 =	sadd.s32 $0xFFFFE003, lr  }
0x1b: {  	s9 =	sadd.s32 $0xFFFFFEF7, lr;
	s5 =	simm.s32 $0xFFFFFFFF;
	p2 =	slt.u32 s8, $0xFFFFF086  }
0x1c: {  	p1 =	slt.u32 s9, $0xF7A;
	s5 =	simm.s32 @!p2 $0x0  }
0x1d: {  	s5 =	simm.s32 @p1 $0x1;
	p0 =	seq.s32 s7, s2  }
0x1e: {  	s7 =	smul.u32 @!p0 $0xF7A, s2;
	p2 =	seq.s32 @!p0 s5, $0x0  }
0x1f: {  	s9 =	smul.u32 $0xF7A, s1;
	s8 =	simm.s32 @!p0 $0x1BF5;
	p2 =	por !p2, p0  }
0x20: {  	[sflag:s8] =	ssyncset.s32 @!p0 $0xFFFFF086;
	s6 =	sadd.s32 @!p0 s3, s7;
	s7 =	simm.s32 @!p0 $0x108  }
0x21: {  	s3 =	sadd.s32 s3, s9;
	s6 =	sadd.s32 @!p0 $0x88, s6;
	s7 =	simm.s32 @p2 $0x1082  }
0x22: {  	[simem:s7], [sflag:s8] =	dma.local @!p0 [hbm:s6], $0xF7A  }
0x23: {  	s9 =	sor.u32 $0xD0000000, s2;
	s6 =	simm.s32 $0x108;
	_ =	swait.ge @!p0 [sflag:s8], $0x0  }
0x24: {  	s3 =	sadd.s32 $0x88, s3;
	s6 =	simm.s32 @!p1 $0x1082;
	[sflag:s4] =	ssyncset.s32 $0xFFFFF086  }
0x25: {  	[simem:s6], [sflag:s4] =	dma.local [hbm:s3], $0xF7A  }
0x26: {  	[smem:$0x3FA0] =	sst s1;
	(tag) =	ssettag s2;
	_ =	strace s9  }
0x27: {  	s1 =	sld [smem:$0x3FB0]  }
0x28: {  	s2 =	sld [smem:$0x3FB1]  }
0x29: {  	s4 =	sld [smem:$0x3FB3]  }
0x2a: {  	p0 =	seq.s32 s5, $0x0;
	s5 =	sld [smem:$0x3FB4]  }
0x2b: {  	s6 =	sld [smem:$0x3FB5]  }
0x2c: {  	s7 =	sld [smem:$0x3FB6]  }
0x2d: {  	s3 =	simm.s32 $0x108;
	s8 =	sld [smem:$0x3FB7]  }
0x2e: {  	s3 =	simm.s32 @!p0 $0x1082;
	s9 =	sld [smem:$0x3FB8]  }
0x2f: {  	lr =	sadd.s32 s0, s3;
	s0 =	sld [smem:$0x3FAF]  }
0x30: {  	s3 =	sld [smem:$0x3FB2]  }
0x31: {  	[smem:$0x3FBB] =	sst s10  }
0x32: {  	s10 =	sld [smem:$0x3FB9];
	_ =	sdelay $0x3  }
0x33: {  	p0 =	seq.s32 s10, $0x1;
	s10 =	sld [smem:$0x3FBB];
	_ =	sdelay $0x3  }
0x34: {  	[smem:$0x3FBB] =	sst s10  }
0x35: {  	s10 =	sld [smem:$0x3FBA];
	_ =	sdelay $0x3  }
0x36: {  	p1 =	seq.s32 s10, $0x1;
	s10 =	sld [smem:$0x3FBB];
	_ =	sdelay $0x3  }
0x37: {  	[smem:$0x3FBB] =	sst s10  }
0x38: {  	s10 =	sld [smem:$0x3FBC]  }
0x39: {  	_ = 	snop;
	(pc) =	sbr.ind lr, $3  }
0x3a: {  	_ = 	snop  }
0x3b: {  	_ = 	snop  }
0x3c: {  	p2 =	seq.s32 s10, $0x1;
	s10 =	sld [smem:$0x3FBB]  }
0x3d: {  	_ =	shalt  }
0x3e: {  	_ =	shalt  }
0x3f: {  	_ =	shalt  }
0x40: {  	_ =	shalt  }
0x41: {  	_ =	shalt  }
0x42: {  	_ =	shalt  }
0x43: {  	_ =	shalt  }
0x44: {  	_ =	shalt  }
0x45: {  	_ =	shalt  }
0x46: {  	_ =	shalt  }
0x47: {  	_ =	shalt  }
0x48: {  	_ =	shalt  }
0x49: {  	_ =	shalt  }
0x4a: {  	_ =	shalt  }
0x4b: {  	_ =	shalt  }
0x4c: {  	_ =	shalt  }
0x4d: {  	_ =	shalt  }
0x4e: {  	_ =	shalt  }
0x4f: {  	_ =	shalt  }
0x50: {  	_ =	shalt  }
0x51: {  	_ =	shalt  }
0x52: {  	_ =	shalt  }
0x53: {  	_ =	shalt  }
0x54: {  	_ =	shalt  }
0x55: {  	_ =	shalt  }
0x56: {  	_ =	shalt  }
0x57: {  	_ =	shalt  }
0x58: {  	_ =	shalt  }
0x59: {  	_ =	shalt  }
0x5a: {  	_ =	shalt  }
0x5b: {  	_ =	shalt  }
0x5c: {  	_ =	shalt  }
0x5d: {  	_ =	shalt  }
0x5e: {  	_ =	shalt  }
0x5f: {  	_ =	shalt  }
0x60: {  	_ =	shalt  }
0x61: {  	_ =	shalt  }
0x62: {  	_ =	shalt  }
0x63: {  	_ =	shalt  }
0x64: {  	_ =	shalt  }
0x65: {  	_ =	shalt  }
0x66: {  	_ =	shalt  }
0x67: {  	_ =	shalt  }
0x68: {  	_ =	shalt  }
0x69: {  	_ =	shalt  }
0x6a: {  	_ =	shalt  }
0x6b: {  	_ =	shalt  }
0x6c: {  	_ =	shalt  }
0x6d: {  	_ =	shalt  }
0x6e: {  	_ =	shalt  }
0x6f: {  	_ =	shalt  }
0x70: {  	_ =	shalt  }
0x71: {  	_ =	shalt  }
0x72: {  	_ =	shalt  }
0x73: {  	_ =	shalt  }
0x74: {  	_ =	shalt  }
0x75: {  	_ =	shalt  }
0x76: {  	_ =	shalt  }
0x77: {  	_ =	shalt  }
0x78: {  	_ =	shalt  }
0x79: {  	_ =	shalt  }
0x7a: {  	_ =	shalt  }
0x7b: {  	_ =	shalt  }
0x7c: {  	_ =	shalt  }
0x7d: {  	_ =	shalt  }
0x7e: {  	_ =	shalt  }
0x7f: {  	_ =	shalt  }
0x80: {  	_ =	shalt  }
0x81: {  	_ =	shalt  }
0x82: {  	_ =	shalt  }
0x83: {  	_ =	shalt  }
0x84: {  	_ =	shalt  }
0x85: {  	_ =	shalt  }
0x86: {  	_ =	shalt  }
0x87: {  	_ =	shalt  }
.Lfunc_end0:
.L_simem_size_0:
called_computation_lowered:
.L_overlay_start_0:
0x88: {  	s2 =	sld [smem:$0x3FD9]  }
0x89: {  	s3 =	sld [smem:$0x3FFE];
	_ =	sdelay $0x1  }
0x8a: {  	s1 =	srdreg.scid  }
0x8b: {  	s0 =	sand.u32 $0x1, s1  }
0x8c: {  	s17 =	sshll.u32 s0, $0xA;
	s2 =	sadd.s32 s3, s2  }
0x8d: {  	s2 =	sadd.s32 s2, s17  }
0x8e: {  	[smem:$0x3FC7] =	sst s2  }
0x8f: {  	_ = 	snop  }
0x90: {  	s2 =	sld [smem:$0x3FD0];
	(tm) =	ssettm $0x1  }
0x91: {  	s18 =	sld [smem:$0x3FFB];
	_ =	sdelay $0x3  }
0x92: {  	_ =	strace s18  }
0x93: {  	s3 =	sld [smem:$0x3FFC];
	_ =	sdelay $0x3  }
0x94: {  	_ =	strace s3  }
0x95: {  	s3 =	sld [smem:$0x3FFD];
	_ =	sdelay $0x3  }
0x96: {  	_ =	strace s3  }
0x97: {  	_ =	strace $0x8FFFFFFF  }
0x98: {  	s19 =	sld [smem:$0x3FDB];
	_ =	sdelay $0x1  }
0x99: {  	s4 =	simm.s32 $_scs_section_size  }
0x9a: {  	s5 =	simm.s32 $_size__tile_overlayer_lowered;
	s6 =	simm.s32 $_tile_overlayer_lowered  }
0x9b: {  	s22 =	simm.s32 $0x1BFF;
	s21 =	sshll.u32 s6, $0x1;
	s3 =	sadd.s32 s4, s19  }
0x9c: {  	s7 =	simm.s32 $0x0;
	s20 =	sshll.u32 s5, $0x1;
	s5 =	sadd.s32 s21, s3  }
0x9d: {  	[timem:s7], [sflag:s22] =	dma.local [hbm:s5], s20  }
0x9e: {  	_ =	swait.ge [sflag:s22], s20  }
0x9f: {  	s4 =	ssub.s32 $0x0, s20;
	[sflag:s22] =	ssyncset.done $0x0  }
0xa0: {  	[sflag:s22] =	ssyncadd.s32 s4;
	_ =	sdelay $0x1  }
0xa1: {  	s23 =	simm.s32 $0x1B8B  }
0xa2: {  	_ =	swait.ge [sflag:s23], $0x1  }
0xa3: {  	[sflag:s23] =	ssyncset.done $0x0  }
0xa4: {  	s25 =	simm.s32 $0x1B8E;
	s24 =	sld [smem:$0x3FFE];
	[sflag:s23] =	ssyncadd.s32 $0xFFFFFFFF  }
0xa5: {  	s26 =	simm.s32 $execute0_lowered;
	[smem:$0x3FD2] =	sst s25  }
0xa6: {  	s5 =	sshll.u32 s26, $0x1;
	_ =	strace $0x80000046;
	[dreg:$0x1] =	wrdreg $0xFFFFFFFF  }
0xa7: {  	s28 =	simm.s32 $_size_execute0_lowered;
	s3 =	sadd.s32 s3, s5;
	[dreg:$0x0] =	wrdreg $0x0  }
0xa8: {  	s5 =	sshll.u32 s28, $0x1;
	[dreg:$0x2] =	wrdreg s3  }
0xa9: {  	[dreg:$0x3] =	wrdreg s5  }
0xaa: {  	[dreg:$0x4] =	wrdreg $0xC0  }
0xab: {  	_ =	task [dreg:s7], $0x5FFFF  }
0xac: {  	[dreg:$0x1] =	wrdreg $0xFFFFFFFF  }
0xad: {  	[dreg:$0x0] =	wrdreg $0x60  }
0xae: {  	[dreg:$0x2] =	wrdreg s2  }
0xaf: {  	[dreg:$0x3] =	wrdreg s24  }
0xb0: {  	[dreg:$0x4] =	wrdreg $0x9  }
0xb1: {  	_ =	task.clear_ibuf [dreg:s7], $0x5FFFF;
	_ =	strace $0x90000046  }
0xb2: {  	s29 =	simm.s32 $0x9;
	_ =	strace $0x80000048  }
0xb3: {  	_ =	swait.ge [sflag:s29], $0x1  }
0xb4: {  	[sflag:s29] =	ssyncadd.s32 $0xFFFFFFFF  }
0xb5: {  	_ =	strace $0x90000048  }
0xb6: {  	_ =	sfence  }
0xb7: {  	s30 =	sld [smem:$0x0];
	_ =	sdelay $0x2  }
0xb8: {  	s31 =	sshll.u32 s1, $0xD;
	s1 =	sshrl.u32 s1, $0x2  }
0xb9: {  	s3 =	sand.u32 $0x4000, s31;
	s1 =	sadd.s32 s1, s30  }
0xba: {  	s0 =	sor.u32 s3, s0;
	s1 =	sshll.u32 s1, $0x11  }
0xbb: {  	s0 =	sor.u32 s1, s0  }
0xbc: {  	s0 =	sadd.s32 $0x8F2B, s0  }
0xbd: {  	[sflag:s0] =	ssyncadd.remote.s32 $0x1  }
0xbe: {  	_ =	sfence.sel $0xFFFF  }
0xbf: {  	[dreg:$0x0] =	wrdreg $0xFFFFFFFF;
	(pc) =	sbr.abs _section_cstart, $3  }
0xc0: {  	[dreg:$0x1] =	wrdreg $0xFFFFFFFF  }
0xc1: {  	_ =	task.clear_ibuf [dreg:s7], $0x2FFFF;
	_ =	strace $0x9FFFFFFF  }
0xc2: {  	(tm) =	ssettm $0x7FFFFFFF  }
0xc3: {  	_ =	shalt  }
tec
execute0_lowered:
.L_overlay_start_1:
0x0: {  	(tag) =	ssettag $0x1  }
0x1: {  	s2 =	rddreg [dreg:$0x0];
	s0 =	srdreg.scid  }
0x2: {  	s4 =	rddreg [dreg:$0x1];
	s1 =	stileid.u32;
	s3 =	simm.s32 $0x0  }
0x3: {  	s9 =	simm.s32 $0x0;
	s5 =	sand.u32 $0x1, s0;
	s0 =	rddreg [dreg:$0x2]  }
0x4: {  	s6 =	sshll.u32 s1, $0x8;
	s7 =	sshll.u32 s5, $0x7;
	s5 =	ssub.s32 $0x2, s5  }
0x5: {  	[smem:$0x7FF] =	sst s3;
	s6 =	sor.u32 s7, s6;
	s8 =	sshrl.u32 s5, $0x1  }
0x6: {  	_ =	strace $0x80000047;
	s7 =	sshll.u32 s6, $0x4;
	s8 =	ssub.s32 s5, s8  }
0x7: {  	s7 =	sadd.s32 s7, s4;
	s4 =	sshrl.u32 s6, $0x3;
	s6 =	smax.u32 s8, $0x1  }
0x8: {  	v0 =	vimm.f32 $0.0e+00;
	s8 =	simm.s32 $0x2800;
	s5 =	sadd.s32 $0x200400, s7;
	s7 =	simm.s32 $0x1  }
.LBB2_1:
0x9: {  	s10 =	simm.s32 $0x0  }
.LBB2_2:
0xa: {  	s11 =	sadd.s32 s4, s10  }
0xb: {  	s11 =	smul.u32 $0x500, s11;
	_ =	sdelay $0x1  }
0xc: {  	s31 =	sshll.u32 s10, $0xA;
	s12 =	sadd.s32 s2, s11;
	s11 =	simm.s32 $0x0  }
0xd: {  	[tilespmem:s11], [sflag:$0x1] =	stream.linear.gather [hbm4b:s12+s11], $0x2800, $0x38;
	[tilespmem:$0x6800] =	vst v63  }
0xe: {  	s12 =	sand.u32 $0x3FFFFC00, s31;
	_ =	swait.ge [sflag:s7], $0x2800  }
0xf: {  	s13 =	sadd.s32 $0x2800, s12;
	[sflag:s7] =	ssyncset.done $0x0  }
0x10: {  	s12 =	simm.s32 $0x40;
	v1 =	vmov s13;
	[sflag:s7] =	ssyncadd.s32 $0xFFFFD800  }
.LBB2_3:
0x11: {  	v2 =	vmov s12;
	_ =	sdelay $0x2  }
0x12: {  	s13 =	sshll.u32 s11, $0x9  }
0x13: {  	s14 =	simm.f32 $+Inf;
	s15 =	simm.f32 $0.0e+00;
	s16 =	simm.s32 $0x0  }
.LBB2_4:
0x14: {  	_ =	sdelay $0x2  }
0x15: {  	s19 =	simm.s32 $0x0  }
0x16: {  	v6 =	vld.idx.msk [tilespmem:v2+s19+$0xFFFFFFC0 ss:$0x1], $0xffff  }
0x17: {  	v10 =	vld.idx.msk [tilespmem:v2+s19+$0xFFFFFFD0 ss:$0x1], $0xffff  }
0x18: {  	v9 =	vld.idx.msk [tilespmem:v2+s19+$0xFFFFFFE0 ss:$0x1], $0xffff  }
0x19: {  	v8 =	vld.idx.msk [tilespmem:v2+s19+$0xFFFFFFF0 ss:$0x1], $0xffff  }
0x1a: {  	v7 =	vld.idx.msk [tilespmem:v2+s19+$0x0 ss:$0x1], $0xffff  }
0x1b: {  	v3 =	vmov s14;
	v5 =	vld.idx.msk [tilespmem:v2+s19+$0x10 ss:$0x1], $0xffff  }
0x1c: {  	v4 =	vld.idx.msk [tilespmem:v2+s19+$0x20 ss:$0x1], $0xffff;
	vm0 =	vlt.f32 v6, v3  }
0x1d: {  	v12 =	vimm.f32 $-1.000000000e+00;
	s17 =	simm.s32 $0x400;
	s18 =	simm.s32 $0x2000;
	v11 =	vnsel vm0, $0xBF800000, v6;
	vm0 =	vlt.f32 v10, v3;
	v6 =	vld.idx.msk [tilespmem:v2+s19+$0x30 ss:$0x1], $0xffff  }
.LBB2_5:
0x1e: {  	p0 =	sne.s32 s18, $0x9000;
	v13 =	vld.idx.msk [tilespmem:v2+s17+$0xFFFFFFC0 ss:$0x1], $0xffff;
	v11 =	vmax.f32 v12, v11;
	v12 =	vnsel vm0, $0xBF800000, v10;
	vm0 =	vlt.f32 v9, v3  }
0x1f: {  	v10 =	vld.idx.msk [tilespmem:v2+s17+$0xFFFFFFD0 ss:$0x1], $0xffff;
	v11 =	vmax.f32 v11, v12;
	v12 =	vnsel vm0, $0xBF800000, v9;
	vm0 =	vlt.f32 v8, v3  }
0x20: {  	v9 =	vld.idx.msk [tilespmem:v2+s17+$0xFFFFFFE0 ss:$0x1], $0xffff;
	v11 =	vmax.f32 v11, v12;
	v12 =	vnsel vm0, $0xBF800000, v8;
	vm0 =	vlt.f32 v7, v3  }
.Ltmp0:
0x21: {  	v8 =	vld.idx.msk [tilespmem:v2+s17+$0xFFFFFFF0 ss:$0x1], $0xffff;
	v11 =	vmax.f32 v11, v12;
	v12 =	vnsel vm0, $0xBF800000, v7;
	vm0 =	vlt.f32 v5, v3;
	(pc) =	sbr.rel @p0 .LBB2_5-.Ltmp0, $4  }
0x22: {  	v7 =	vld.idx.msk [tilespmem:v2+s17+$0x0 ss:$0x1], $0xffff;
	v11 =	vmax.f32 v11, v12;
	v12 =	vnsel vm0, $0xBF800000, v5;
	vm0 =	vlt.f32 v4, v3  }
0x23: {  	v5 =	vld.idx.msk [tilespmem:v2+s17+$0x10 ss:$0x1], $0xffff;
	v11 =	vmax.f32 v11, v12;
	v12 =	vnsel vm0, $0xBF800000, v4;
	vm0 =	vlt.f32 v6, v3  }
0x24: {  	vm1 =	vlt.f32 v13, v3;
	v4 =	vld.idx.msk [tilespmem:v2+s17+$0x20 ss:$0x1], $0xffff;
	v12 =	vmax.f32 v11, v12;
	v14 =	vnsel vm0, $0xBF800000, v6  }
0x25: {  	v11 =	vnsel vm1, $0xBF800000, v13;
	vm0 =	vlt.f32 v10, v3;
	v6 =	vld.idx.msk [tilespmem:v2+s17+$0x30 ss:$0x1], $0xffff;
	s17 =	sshra.s32 s18, $0x2;
	s18 =	sadd.s32 $0x1000, s18;
	v12 =	vmax.f32 v12, v14  }
0x26: {  	_ =	sdelay $0x2  }
0x27: {  	v11 =	vmax.f32 v12, v11;
	v10 =	vnsel vm0, $0xBF800000, v10;
	vm10 =	vlt.f32 v9, v3  }
0x28: {  	v63 =	vld.idx.msk [tilespmem:v2+s17+$0xFFFFFFC0 ss:$0x1], $0xffff;
	vm11 =	vlt.f32 v8, v3;
	v10 =	vmax.f32 v11, v10;
	v9 =	vnsel vm10, $0xBF800000, v9  }
0x29: {  	v11 =	vld.idx.msk [tilespmem:v2+s17+$0xFFFFFFD0 ss:$0x1], $0xffff;
	v8 =	vnsel vm11, $0xBF800000, v8;
	vm12 =	vlt.f32 v7, v3;
	v9 =	vmax.f32 v10, v9  }
0x2a: {  	v10 =	vld.idx.msk [tilespmem:v2+s17+$0xFFFFFFE0 ss:$0x1], $0xffff;
	v7 =	vnsel vm12, $0xBF800000, v7;
	vm13 =	vlt.f32 v5, v3;
	v8 =	vmax.f32 v9, v8  }
0x2b: {  	v9 =	vld.idx.msk [tilespmem:v2+s17+$0xFFFFFFF0 ss:$0x1], $0xffff;
	v5 =	vnsel vm13, $0xBF800000, v5;
	vm14 =	vlt.f32 v4, v3;
	v7 =	vmax.f32 v8, v7  }
0x2c: {  	v8 =	vld.idx.msk [tilespmem:v2+s17+$0x0 ss:$0x1], $0xffff;
	v4 =	vnsel vm14, $0xBF800000, v4;
	vm15 =	vlt.f32 v6, v3;
	v5 =	vmax.f32 v7, v5  }
0x2d: {  	v7 =	vld.idx.msk [tilespmem:v2+s17+$0x10 ss:$0x1], $0xffff;
	vm1 =	vlt.f32 v63, v3;
	v4 =	vmax.f32 v5, v4;
	v5 =	vnsel vm15, $0xBF800000, v6  }
0x2e: {  	v6 =	vld.idx.msk [tilespmem:v2+s17+$0x20 ss:$0x1], $0xffff;
	v12 =	vnsel vm1, $0xBF800000, v63;
	vm4 =	vlt.f32 v11, v3;
	v4 =	vmax.f32 v4, v5  }
0x2f: {  	v5 =	vld.idx.msk [tilespmem:v2+s17+$0x30 ss:$0x1], $0xffff;
	v11 =	vnsel vm4, $0xBF800000, v11;
	vm5 =	vlt.f32 v10, v3;
	v4 =	vmax.f32 v4, v12  }
0x30: {  	v10 =	vnsel vm5, $0xBF800000, v10;
	vm6 =	vlt.f32 v9, v3;
	v4 =	vmax.f32 v4, v11  }
0x31: {  	v9 =	vnsel vm6, $0xBF800000, v9;
	vm7 =	vlt.f32 v8, v3;
	v4 =	vmax.f32 v4, v10  }
0x32: {  	v8 =	vnsel vm7, $0xBF800000, v8;
	vm8 =	vlt.f32 v7, v3;
	v4 =	vmax.f32 v4, v9  }
0x33: {  	v7 =	vnsel vm8, $0xBF800000, v7;
	vm9 =	vlt.f32 v6, v3;
	v4 =	vmax.f32 v4, v8  }
0x34: {  	v6 =	vnsel vm9, $0xBF800000, v6;
	vm10 =	vlt.f32 v5, v3;
	v4 =	vmax.f32 v4, v7  }
0x35: {  	v3 =	vmax.f32 v4, v6;
	v4 =	vnsel vm10, $0xBF800000, v5  }
0x36: {  	v3 =	vmax.f32 v3, v4  }
0x37: {  	(v2sf) =	vpush v3, $0x0  }
0x38: {  	(v2sf) =	vpush v3, $0x1  }
0x39: {  	(v2sf) =	vpush v3, $0x2  }
0x3a: {  	(v2sf) =	vpush v3, $0x3  }
0x3b: {  	(v2sf) =	vpush v3, $0x4  }
0x3c: {  	(v2sf) =	vpush v3, $0x5  }
0x3d: {  	(v2sf) =	vpush v3, $0x6  }
0x3e: {  	(v2sf) =	vpush v3, $0x7  }
0x3f: {  	(v2sf) =	vpush v3, $0x8  }
0x40: {  	(v2sf) =	vpush v3, $0x9  }
0x41: {  	(v2sf) =	vpush v3, $0xA  }
0x42: {  	(v2sf) =	vpush v3, $0xB  }
0x43: {  	(v2sf) =	vpush v3, $0xC  }
0x44: {  	(v2sf) =	vpush v3, $0xD  }
0x45: {  	(v2sf) =	vpush v3, $0xE  }
0x46: {  	s28 =	spop (v2sf);
	(v2sf) =	vpush v3, $0xF  }
0x47: {  	s18 =	spop (v2sf)  }
0x48: {  	s19 =	spop (v2sf);
	s17 =	smax.f32 s28, s18  }
0x49: {  	s29 =	spop (v2sf);
	s17 =	smax.f32 s17, s19  }
0x4a: {  	s30 =	spop (v2sf);
	s17 =	smax.f32 s17, s29  }
0x4b: {  	s31 =	spop (v2sf);
	s17 =	smax.f32 s17, s30  }
0x4c: {  	s20 =	spop (v2sf);
	s17 =	smax.f32 s17, s31  }
0x4d: {  	s21 =	spop (v2sf);
	s17 =	smax.f32 s17, s20  }
0x4e: {  	s22 =	spop (v2sf);
	s17 =	smax.f32 s17, s21  }
0x4f: {  	s23 =	spop (v2sf);
	s17 =	smax.f32 s17, s22  }
0x50: {  	s24 =	spop (v2sf);
	s17 =	smax.f32 s17, s23  }
0x51: {  	s25 =	spop (v2sf);
	s17 =	smax.f32 s17, s24  }
0x52: {  	s28 =	simm.s32 $0x0;
	s26 =	spop (v2sf);
	s17 =	smax.f32 s17, s25  }
0x53: {  	v4 =	vld.idx.msk [tilespmem:v2+s28+$0xFFFFFFC0 ss:$0x1], $0xffff;
	s17 =	smax.f32 s17, s26;
	s29 =	spop (v2sf)  }
0x54: {  	s17 =	smax.f32 s17, s29;
	s30 =	spop (v2sf)  }
0x55: {  	v5 =	vld.idx.msk [tilespmem:v2+s28+$0xFFFFFFD0 ss:$0x1], $0xffff;
	s17 =	smax.f32 s17, s30;
	s31 =	spop (v2sf)  }
0x56: {  	s17 =	smax.f32 s17, s31  }
0x57: {  	v6 =	vld.idx.msk [tilespmem:v2+s28+$0xFFFFFFE0 ss:$0x1], $0xffff;
	v3 =	vmov s17  }
0x58: {  	vm11 =	vge.f32 v4, v3  }
0x59: {  	v7 =	vld.idx.msk [tilespmem:v2+s28+$0xFFFFFFF0 ss:$0x1], $0xffff;
	v4 =	vimm.f32 $0.0e+00;
	v8 =	vsel vm11, $0x3F800000, v0  }
0x5a: {  	vm12 =	vge.f32 v5, v3;
	v4 =	vadd.f32 v8, v4  }
0x5b: {  	v5 =	vld.idx.msk [tilespmem:v2+s28+$0x0 ss:$0x1], $0xffff;
	v8 =	vsel vm12, $0x3F800000, v0  }
0x5c: {  	vm13 =	vge.f32 v6, v3;
	v4 =	vadd.f32 v8, v4  }
0x5d: {  	v6 =	vld.idx.msk [tilespmem:v2+s28+$0x10 ss:$0x1], $0xffff;
	v8 =	vsel vm13, $0x3F800000, v0  }
0x5e: {  	vm14 =	vge.f32 v7, v3;
	v8 =	vadd.f32 v8, v4  }
0x5f: {  	v7 =	vsel vm14, $0x3F800000, v0;
	v4 =	vld.idx.msk [tilespmem:v2+s28+$0x20 ss:$0x1], $0xffff  }
0x60: {  	vm15 =	vge.f32 v5, v3;
	v7 =	vadd.f32 v7, v8  }
0x61: {  	s18 =	simm.s32 $0x400;
	s19 =	simm.s32 $0x2000;
	v5 =	vld.idx.msk [tilespmem:v2+s28+$0x30 ss:$0x1], $0xffff;
	v8 =	vsel vm15, $0x3F800000, v0  }
.LBB2_7:
0x62: {  	p0 =	sne.s32 s19, $0x9000;
	v9 =	vld.idx.msk [tilespmem:v2+s18+$0xFFFFFFC0 ss:$0x1], $0xffff;
	v7 =	vadd.f32 v8, v7;
	vm0 =	vge.f32 v6, v3  }
0x63: {  	v6 =	vsel vm0, $0x3F800000, v0  }
0x64: {  	vm0 =	vge.f32 v4, v3;
	v8 =	vld.idx.msk [tilespmem:v2+s18+$0xFFFFFFD0 ss:$0x1], $0xffff;
	v6 =	vadd.f32 v6, v7  }
0x65: {  	v4 =	vsel vm0, $0x3F800000, v0  }
0x66: {  	vm0 =	vge.f32 v5, v3;
	v7 =	vld.idx.msk [tilespmem:v2+s18+$0xFFFFFFE0 ss:$0x1], $0xffff;
	v4 =	vadd.f32 v4, v6  }
0x67: {  	v5 =	vsel vm0, $0x3F800000, v0  }
0x68: {  	vm0 =	vge.f32 v9, v3;
	v9 =	vld.idx.msk [tilespmem:v2+s18+$0xFFFFFFF0 ss:$0x1], $0xffff;
	v4 =	vadd.f32 v5, v4  }
0x69: {  	v5 =	vsel vm0, $0x3F800000, v0  }
0x6a: {  	vm0 =	vge.f32 v8, v3;
	v4 =	vadd.f32 v5, v4;
	v5 =	vld.idx.msk [tilespmem:v2+s18+$0x0 ss:$0x1], $0xffff  }
0x6b: {  	v6 =	vsel vm0, $0x3F800000, v0  }
0x6c: {  	vm0 =	vge.f32 v7, v3;
	v4 =	vadd.f32 v6, v4;
	v6 =	vld.idx.msk [tilespmem:v2+s18+$0x10 ss:$0x1], $0xffff  }
.Ltmp1:
0x6d: {  	v7 =	vsel vm0, $0x3F800000, v0;
	(pc) =	sbr.rel @p0 .LBB2_7-.Ltmp1, $4  }
0x6e: {  	vm0 =	vge.f32 v9, v3;
	v7 =	vadd.f32 v7, v4;
	v4 =	vld.idx.msk [tilespmem:v2+s18+$0x20 ss:$0x1], $0xffff  }
0x6f: {  	v8 =	vsel vm0, $0x3F800000, v0  }
0x70: {  	vm0 =	vge.f32 v5, v3;
	v7 =	vadd.f32 v8, v7;
	v5 =	vld.idx.msk [tilespmem:v2+s18+$0x30 ss:$0x1], $0xffff  }
0x71: {  	s18 =	sshra.s32 s19, $0x2;
	s19 =	sadd.s32 $0x1000, s19;
	v8 =	vsel vm0, $0x3F800000, v0  }
0x72: {  	_ =	sdelay $0x2  }
0x73: {  	v7 =	vadd.f32 v8, v7;
	vm0 =	vge.f32 v6, v3  }
0x74: {  	v46 =	vld.idx.msk [tilespmem:v2+s18+$0xFFFFFFC0 ss:$0x1], $0xffff;
	v47 =	vsel vm0, $0x3F800000, v0  }
0x75: {  	vm6 =	vge.f32 v4, v3;
	v7 =	vadd.f32 v47, v7  }
0x76: {  	v48 =	vld.idx.msk [tilespmem:v2+s18+$0xFFFFFFD0 ss:$0x1], $0xffff;
	v49 =	vsel vm6, $0x3F800000, v0  }
0x77: {  	vm7 =	vge.f32 v5, v3;
	v7 =	vadd.f32 v49, v7  }
0x78: {  	v50 =	vld.idx.msk [tilespmem:v2+s18+$0xFFFFFFE0 ss:$0x1], $0xffff;
	v51 =	vsel vm7, $0x3F800000, v0  }
0x79: {  	vm8 =	vge.f32 v46, v3;
	v52 =	vadd.f32 v51, v7  }
0x7a: {  	v53 =	vld.idx.msk [tilespmem:v2+s18+$0xFFFFFFF0 ss:$0x1], $0xffff;
	v54 =	vsel vm8, $0x3F800000, v0  }
0x7b: {  	vm9 =	vge.f32 v48, v3;
	v6 =	vadd.f32 v54, v52  }
0x7c: {  	v55 =	vld.idx.msk [tilespmem:v2+s18+$0x0 ss:$0x1], $0xffff;
	v56 =	vsel vm9, $0x3F800000, v0  }
0x7d: {  	vm10 =	vge.f32 v50, v3;
	v6 =	vadd.f32 v56, v6  }
0x7e: {  	v57 =	vld.idx.msk [tilespmem:v2+s18+$0x10 ss:$0x1], $0xffff;
	v58 =	vsel vm10, $0x3F800000, v0  }
0x7f: {  	vm11 =	vge.f32 v53, v3;
	v6 =	vadd.f32 v58, v6  }
0x80: {  	v59 =	vld.idx.msk [tilespmem:v2+s18+$0x20 ss:$0x1], $0xffff;
	v60 =	vsel vm11, $0x3F800000, v0  }
0x81: {  	vm12 =	vge.f32 v55, v3;
	v6 =	vadd.f32 v60, v6  }
0x82: {  	v61 =	vld.idx.msk [tilespmem:v2+s18+$0x30 ss:$0x1], $0xffff;
	v62 =	vsel vm12, $0x3F800000, v0  }
0x83: {  	vm13 =	vge.f32 v57, v3;
	v6 =	vadd.f32 v62, v6  }
0x84: {  	v5 =	vsel vm13, $0x3F800000, v0  }
0x85: {  	vm14 =	vge.f32 v59, v3;
	v5 =	vadd.f32 v5, v6  }
0x86: {  	v63 =	vsel vm14, $0x3F800000, v0  }
0x87: {  	vm15 =	vge.f32 v61, v3;
	v5 =	vadd.f32 v63, v5  }
0x88: {  	v3 =	vsel vm15, $0x3F800000, v0  }
0x89: {  	v3 =	vadd.f32 v3, v5;
	_ =	sdelay $0x1  }
0x8a: {  	(v2sf) =	vpush v3, $0x0  }
0x8b: {  	(v2sf) =	vpush v3, $0x1;
	_ =	sdelay $0x1  }
0x8c: {  	(v2sf) =	vpush v3, $0x2;
	_ =	sdelay $0x1  }
0x8d: {  	(v2sf) =	vpush v3, $0x3;
	_ =	sdelay $0x1  }
0x8e: {  	(v2sf) =	vpush v3, $0x4;
	_ =	sdelay $0x1  }
0x8f: {  	(v2sf) =	vpush v3, $0x5;
	_ =	sdelay $0x1  }
0x90: {  	(v2sf) =	vpush v3, $0x6;
	_ =	sdelay $0x1  }
0x91: {  	(v2sf) =	vpush v3, $0x7;
	_ =	sdelay $0x1  }
0x92: {  	s28 =	spop (v2sf);
	(v2sf) =	vpush v3, $0x8  }
0x93: {  	s19 =	spop (v2sf)  }
0x94: {  	(v2sf) =	vpush v3, $0x9;
	s18 =	sadd.f32 s19, s28  }
0x95: {  	s29 =	spop (v2sf)  }
0x96: {  	(v2sf) =	vpush v3, $0xA;
	s18 =	sadd.f32 s18, s29  }
0x97: {  	s30 =	spop (v2sf)  }
0x98: {  	(v2sf) =	vpush v3, $0xB;
	s18 =	sadd.f32 s18, s30  }
0x99: {  	s31 =	spop (v2sf)  }
0x9a: {  	(v2sf) =	vpush v3, $0xC;
	s18 =	sadd.f32 s18, s31  }
0x9b: {  	s20 =	spop (v2sf)  }
0x9c: {  	(v2sf) =	vpush v3, $0xD;
	s18 =	sadd.f32 s18, s20  }
0x9d: {  	s21 =	spop (v2sf)  }
0x9e: {  	(v2sf) =	vpush v3, $0xE;
	s18 =	sadd.f32 s18, s21  }
0x9f: {  	s22 =	spop (v2sf)  }
0xa0: {  	(v2sf) =	vpush v3, $0xF;
	s18 =	sadd.f32 s18, s22  }
0xa1: {  	s23 =	spop (v2sf)  }
0xa2: {  	s18 =	sadd.f32 s18, s23  }
0xa3: {  	s24 =	spop (v2sf)  }
0xa4: {  	s18 =	sadd.f32 s18, s24  }
0xa5: {  	s25 =	spop (v2sf)  }
0xa6: {  	s18 =	sadd.f32 s18, s25  }
0xa7: {  	s26 =	spop (v2sf)  }
0xa8: {  	s18 =	sadd.f32 s18, s26  }
0xa9: {  	s28 =	spop (v2sf)  }
0xaa: {  	s18 =	sadd.f32 s18, s28  }
0xab: {  	s29 =	spop (v2sf)  }
0xac: {  	s16 =	sadd.s32 $0x1, s16;
	s18 =	sadd.f32 s18, s29  }
0xad: {  	p1 =	sne.s32 s16, $0xA;
	s30 =	spop (v2sf)  }
.Ltmp2:
0xae: {  	s18 =	sadd.f32 s18, s30;
	(pc) =	sbr.rel @p1 .LBB2_4-.Ltmp2, $4  }
0xaf: {  	s31 =	spop (v2sf)  }
0xb0: {  	p0 =	slt.f32 s15, $1.000000000e+01;
	s18 =	sadd.f32 s18, s31  }
0xb1: {  	_ = 	snop  }
0xb2: {  	s14 =	smov.u32 @p0 s17;
	s15 =	smov.u32 @p0 s18  }
0xb3: {  	s11 =	sadd.s32 $0x1, s11  }
0xb4: {  	p0 =	sne.s32 s11, $0x8  }
.Ltmp3:
0xb5: {  	_ = 	snop;
	(pc) =	sbr.rel @p0 .LBB2_3-.Ltmp3, $3  }
0xb6: {  	_ =	sdelay $0x1  }
0xb7: {  	v2 =	vmov s14;
	s13 =	sshrl.u32 s13, $0x2  }
0xb8: {  	s12 =	sadd.s32 $0x80, s12;
	[tilespmem:v1+s13+$0x0 ss:$0x1] =	vst.idx.msk $0xffff, v2  }
0xb9: {  	s10 =	sadd.s32 $0x1, s10  }
0xba: {  	p0 =	sne.s32 s10, $0x10  }
.Ltmp4:
0xbb: {  	_ = 	snop;
	(pc) =	sbr.rel @p0 .LBB2_2-.Ltmp4, $1  }
0xbc: {  	_ =	sdelay $0x3  }
0xbd: {  	s9 =	sadd.s32 $0x1, s9  }
0xbe: {  	p0 =	sne.s32 s9, s6  }
.Ltmp5:
0xbf: {  	_ = 	snop;
	(pc) =	sbr.rel @p0 .LBB2_1-.Ltmp5, $4  }
0xc0: {  	[hbm4b:s5+s3] =	stream.linear.scatter [tilespmem:s8], [sflag:$0x1], $0x4000, $0x38;
	[tilespmem:$0x6800] =	vst v63  }
0xc1: {  	_ =	swait.ge [sflag:s7], $0x4000  }
0xc2: {  	[sflag:s7] =	ssyncset.done $0x0  }
0xc3: {  	[sflag:s7] =	ssyncadd.s32 $0xFFFFC000  }
0xc4: {  	_ =	sfence.sel $0x180000  }
0xc5: {  	[bflag:$0x0] =	sbarrier.arrive $0xFFFF  }
0xc6: {  	p0 =	sne.s32 s1, $0x0;
	_ =	strace $0x90000047  }
0xc7: {  	s0 =	sadd.s32 @!p0 $0x100000, s0;
	[bflag:$0x2] =	sbarrier.arrive $0xFFFF  }
0xc8: {  	[sflag:s0] =	ssyncadd.tile.s32 @!p0 $0x1;
	_ =	shalt  }
.Lfunc_end2:
_tile_overlayer_lowered:
.L_overlay_start_2:
0xc9: {  	(tag) =	ssettag $0x2  }
0xca: {  	s0 =	rddreg [dreg:$0x0];
	s2 =	stileid.u32  }
0xcb: {  	s1 =	rddreg [dreg:$0x1];
	p0 =	sne.s32 s2, $0x0  }
0xcc: {  	s3 =	rddreg [dreg:$0x2];
	[bflag:$0x3] =	sbarrier.arrive $0xFFFF;
	s2 =	simm.s32 @!p0 $0x1C01  }
0xcd: {  	[timem:s3], [sflag:s2] =	dma.local @!p0 [hbm:s0], s1  }
0xce: {  	s0 =	simm.s32 @!p0 $0x1  }
0xcf: {  	_ =	swait.ge @!p0 [sflag:s0], s1  }
0xd0: {  	s1 =	ssub.s32 @!p0 $0x0, s1;
	[sflag:s0] =	ssyncset.done @!p0 $0x0  }
0xd1: {  	[sflag:s0] =	ssyncadd.s32 @!p0 s1  }
0xd2: {  	[bflag:$0x3] =	sbarrier.arrive $0xFFFF  }
0xd3: {  	_ =	shalt  }

</sc_bundles>
